<compile_context>
chip_gen: v7x
topology: tpu7x:2x2x1
jax: 0.10.2.dev20260603
libtpu: 0.0.44.dev20260713+nightly
codegen_flags: <defaults>
</compile_context>

<pallas_src>
import functools

import jax
import jax.numpy as jnp
from jax import lax
from jax.experimental import pallas as pl
from jax.experimental.pallas import tpu as pltpu
from jax.experimental.pallas import tpu_sc as plsc

_NEG = -1e30
_POS = 1e30


def _layer_norm(h, g, b, eps=1e-5):
    mu = jnp.mean(h, axis=-1, keepdims=True)
    var = jnp.mean((h - mu) ** 2, axis=-1, keepdims=True)
    return (h - mu) * jax.lax.rsqrt(var + eps) * g + b



def _gate_body(E, T, BM, NB, x_ref, wg_ref, bg_ref,
               slot4_ref, w4_ref, be_ref, xbf_ref):
    s = jax.lax.dot_general(
        wg_ref[...], x_ref[...], (((1,), (1,)), ((), ())),
        preferred_element_type=jnp.float32) + bg_ref[...]
    iota = jax.lax.broadcasted_iota(jnp.int32, s.shape, 0)
    m1 = jnp.max(s, axis=0, keepdims=True)
    i1 = jnp.min(jnp.where(s == m1, iota, E), axis=0, keepdims=True)
    mask1 = iota == i1
    s_m = jnp.where(mask1, _NEG, s)
    m2 = jnp.max(s_m, axis=0, keepdims=True)
    i2 = jnp.min(jnp.where(s_m == m2, iota, E), axis=0, keepdims=True)
    mask2 = iota == i2
    n1 = jnp.min(s, axis=0, keepdims=True)
    j1 = jnp.min(jnp.where(s == n1, iota, E), axis=0, keepdims=True)
    mask3 = iota == j1
    s_q = jnp.where(mask3, _POS, s)
    n2 = jnp.min(s_q, axis=0, keepdims=True)
    j2 = jnp.min(jnp.where(s_q == n2, iota, E), axis=0, keepdims=True)
    mask4 = iota == j2
    e2 = jnp.exp(m2 - m1)
    z = 1.0 + e2
    eb = jnp.exp(n1 - n2)
    zb = 1.0 + eb
    w4_ref[...] = jnp.concatenate([1.0 / z, e2 / z, eb / zb, 1.0 / zb], axis=0)
    xbf_ref[...] = x_ref[...].astype(jnp.bfloat16)

    one = jnp.float32(1.0)
    zero = jnp.float32(0.0)
    cnt = (jnp.where(mask1, one, zero) + jnp.where(mask2, one, zero)
           + jnp.where(mask3, one, zero) + jnp.where(mask4, one, zero))
    tri = (jax.lax.broadcasted_iota(jnp.int32, (T, T), 0)
           < jax.lax.broadcasted_iota(jnp.int32, (T, T), 1)
           ).astype(jnp.bfloat16)
    csum = jax.lax.dot_general(
        cnt.astype(jnp.bfloat16), tri, (((1,), (0,)), ((), ())),
        preferred_element_type=jnp.float32)
    n_e = jnp.sum(cnt, axis=1, keepdims=True)
    nb_e = jnp.floor((n_e + (BM - 1)) * (1.0 / BM))
    tri_e = (jax.lax.broadcasted_iota(jnp.int32, (E, E), 0)
             < jax.lax.broadcasted_iota(jnp.int32, (E, E), 1)
             ).astype(jnp.float32)
    starts_blk = jax.lax.dot_general(
        tri_e, nb_e, (((0,), (0,)), ((), ())),
        preferred_element_type=jnp.float32)
    group_start = starts_blk * float(BM)
    ends_blk = starts_blk + nb_e

    def pick(mask, mat):
        return jnp.sum(jnp.where(mask, mat, 0.0), axis=0, keepdims=True)

    def eqf(u, v):
        return jnp.where(u == v, one, zero)

    s0 = pick(mask1, csum) + pick(mask1, group_start * jnp.ones_like(csum))
    s1 = pick(mask2, csum) + pick(mask2, group_start * jnp.ones_like(csum))
    s2 = (pick(mask3, csum) + pick(mask3, group_start * jnp.ones_like(csum))
          + eqf(j1, i1) + eqf(j1, i2))
    s3 = (pick(mask4, csum) + pick(mask4, group_start * jnp.ones_like(csum))
          + eqf(j2, i1) + eqf(j2, i2))
    slot4_ref[...] = jnp.concatenate([s0, s1, s2, s3], axis=0).astype(jnp.int32)

    iota_b = jax.lax.broadcasted_iota(jnp.int32, (E, NB), 1).astype(jnp.float32)
    be = jnp.sum(jnp.where(ends_blk <= iota_b, one, zero), axis=0,
                 keepdims=True)
    be_ref[...] = jnp.minimum(be, float(E - 1)).astype(jnp.int32)


def _gate(xf, Wg, bg, BM, NB):
    T, D = xf.shape
    E = Wg.shape[0]
    return pl.pallas_call(
        functools.partial(_gate_body, E, T, BM, NB),
        in_specs=[
            pl.BlockSpec((T, D), lambda: (0, 0)),
            pl.BlockSpec((E, D), lambda: (0, 0)),
            pl.BlockSpec((E, 1), lambda: (0, 0)),
        ],
        out_specs=[
            pl.BlockSpec((4, T), lambda: (0, 0)),
            pl.BlockSpec((4, T), lambda: (0, 0)),
            pl.BlockSpec((1, NB), lambda: (0, 0)),
            pl.BlockSpec((T, D), lambda: (0, 0)),
        ],
        out_shape=[
            jax.ShapeDtypeStruct((4, T), jnp.int32),
            jax.ShapeDtypeStruct((4, T), jnp.float32),
            jax.ShapeDtypeStruct((1, NB), jnp.int32),
            jax.ShapeDtypeStruct((T, D), jnp.bfloat16),
        ],
    )(xf, Wg, bg.reshape(E, 1))



def _sc_gather(table, idx):
    n = idx.shape[0]
    D = table.shape[1]
    info = plsc.get_sparse_core_info()
    NC = info.num_cores
    NW = NC * info.num_subcores
    per_w = n // NW
    CH = 64
    while per_w % CH:
        CH //= 2
    iters = per_w // CH
    mesh = plsc.VectorSubcoreMesh(core_axis_name="c", subcore_axis_name="s")

    @functools.partial(
        pl.kernel, mesh=mesh,
        out_type=jax.ShapeDtypeStruct((n, D), table.dtype),
        scratch_types=[
            pltpu.VMEM((CH,), jnp.int32),
            pltpu.VMEM((CH, D), table.dtype),
            pltpu.SemaphoreType.DMA,
        ],
    )
    def k(table_hbm, idx_hbm, out_hbm, idx_v, rows_v, sem):
        wid = lax.axis_index("s") * NC + lax.axis_index("c")
        base = wid * per_w

        def body(i, carry):
            off = base + i * CH
            pltpu.sync_copy(idx_hbm.at[pl.ds(off, CH)], idx_v)
            pltpu.async_copy(table_hbm.at[idx_v], rows_v, sem).wait()
            pltpu.sync_copy(rows_v, out_hbm.at[pl.ds(off, CH)])
            return carry

        lax.fori_loop(0, iters, body, 0)

    return k(table, idx)



def _ffn_body(BM, be_ref, slot4t_ref, xbf_ref, w1_ref, b1_ref, g1_ref,
              be1_ref, w2_ref, b2_ref, g2_ref, be2_ref, ys_ref):
    b = pl.program_id(0)
    base = b * BM
    s4 = slot4t_ref[...] - base
    T = s4.shape[0]
    iota_bm = jax.lax.broadcasted_iota(jnp.int32, (T, BM), 1)
    st = ((s4[:, 0:1] == iota_bm) | (s4[:, 1:2] == iota_bm)
          | (s4[:, 2:3] == iota_bm) | (s4[:, 3:4] == iota_bm)
          ).astype(jnp.bfloat16)
    xv = jax.lax.dot_general(
        st, xbf_ref[...], (((0,), (0,)), ((), ())),
        preferred_element_type=jnp.float32)
    h = jax.lax.dot_general(
        xv, w1_ref[0], (((1,), (1,)), ((), ())),
        preferred_element_type=jnp.float32) + b1_ref[0]
    h = _layer_norm(h, g1_ref[0], be1_ref[0])
    h = jnp.maximum(h, 0.0)
    o = jax.lax.dot_general(
        h, w2_ref[0], (((1,), (1,)), ((), ())),
        preferred_element_type=jnp.float32) + b2_ref[0]
    ys_ref[...] = _layer_norm(o, g2_ref[0], be2_ref[0])


def _grouped_ffn(xbf, slot4t, block_expert,
                 W1, b1, g1, be1, W2, b2, g2, be2, BM, NB):
    T, D = xbf.shape
    E = W1.shape[0]
    P = NB * BM

    def wmap(b, be_ref):
        return (be_ref[b], 0, 0)

    grid_spec = pltpu.PrefetchScalarGridSpec(
        num_scalar_prefetch=1,
        grid=(NB,),
        in_specs=[
            pl.BlockSpec((T, 4), lambda b, be_ref: (0, 0)),
            pl.BlockSpec((T, D), lambda b, be_ref: (0, 0)),
            pl.BlockSpec((1, D, D), wmap),
            pl.BlockSpec((1, 1, D), wmap),
            pl.BlockSpec((1, 1, D), wmap),
            pl.BlockSpec((1, 1, D), wmap),
            pl.BlockSpec((1, D, D), wmap),
            pl.BlockSpec((1, 1, D), wmap),
            pl.BlockSpec((1, 1, D), wmap),
            pl.BlockSpec((1, 1, D), wmap),
        ],
        out_specs=pl.BlockSpec((BM, D), lambda b, be_ref: (b, 0)),
    )
    return pl.pallas_call(
        functools.partial(_ffn_body, BM),
        grid_spec=grid_spec,
        out_shape=jax.ShapeDtypeStruct((P, D), jnp.float32),
    )(block_expert, slot4t, xbf,
      W1, b1.reshape(E, 1, D), g1.reshape(E, 1, D), be1.reshape(E, 1, D),
      W2, b2.reshape(E, 1, D), g2.reshape(E, 1, D), be2.reshape(E, 1, D))



def _epi_body(g_ref, w_ref, x_ref, out_ref, top_ref, bot_ref, ss_ref):
    w = w_ref[...]
    top = w[:, 0:1] * g_ref[0] + w[:, 1:2] * g_ref[1]
    bot = w[:, 2:3] * g_ref[2] + w[:, 3:4] * g_ref[3]
    out_ref[...] = top + x_ref[...]
    top_ref[...] = top
    bot_ref[...] = bot
    d = top - bot
    ss_ref[...] = jnp.full(ss_ref.shape, jnp.sum(d * d), jnp.float32)


def _epilogue(gath, w4t, xf, BTE):
    T, D = xf.shape
    nb = T // BTE
    return pl.pallas_call(
        _epi_body,
        grid=(nb,),
        in_specs=[
            pl.BlockSpec((4, BTE, D), lambda tb: (0, tb, 0)),
            pl.BlockSpec((BTE, 4), lambda tb: (tb, 0)),
            pl.BlockSpec((BTE, D), lambda tb: (tb, 0)),
        ],
        out_specs=[
            pl.BlockSpec((BTE, D), lambda tb: (tb, 0)),
            pl.BlockSpec((BTE, D), lambda tb: (tb, 0)),
            pl.BlockSpec((BTE, D), lambda tb: (tb, 0)),
            pl.BlockSpec((8, 128), lambda tb: (tb, 0)),
        ],
        out_shape=[
            jax.ShapeDtypeStruct((T, D), jnp.float32),
            jax.ShapeDtypeStruct((T, D), jnp.float32),
            jax.ShapeDtypeStruct((T, D), jnp.float32),
            jax.ShapeDtypeStruct((nb * 8, 128), jnp.float32),
        ],
    )(gath, w4t, xf)



def kernel(x, Wg, bg, W1, b1, g1, be1, W2, b2, g2, be2):
    B_, N_, D_ = x.shape
    T = B_ * N_
    E = Wg.shape[0]
    xf = x.reshape(T, D_)

    BM = 256
    NB = 4 * T // BM + E

    slot4, w4, block_expert, xbf = _gate(xf, Wg, bg, BM, NB)
    ys = _grouped_ffn(xbf, slot4.T, block_expert.reshape(NB),
                      W1, b1, g1, be1, W2, b2, g2, be2, BM, NB)
    gath = _sc_gather(ys, slot4.reshape(4 * T)).reshape(4, T, D_)
    out, top, bot, ss = _epilogue(gath, w4.T, xf, BTE=min(512, T))
    total_ss = jnp.sum(ss[::8, 0])
    loss = jnp.mean(1.0 / (jnp.sqrt(total_ss) + 1e-8))
    return (out.reshape(B_, N_, D_),
            top.reshape(B_, N_, D_),
            bot.reshape(B_, N_, D_),
            loss)

# --- scband reference (transcript-rebuilt; emitter-appended) ---
"""Pipeline reference for scband-mo-e-13477607375000 (READ-ONLY COPY).

The authoritative reference and input builder live on the scoring server;
editing this copy changes nothing except your own understanding.
"""

import jax, jax.numpy as jnp
import numpy as np

E = 8
K = 2
D = 1024
B = 1
N = 2048


def layer_norm(x, g, b, eps=1e-5):
    mu = jnp.mean(x, axis=-1, keepdims=True)
    var = jnp.mean((x - mu) ** 2, axis=-1, keepdims=True)
    return (x - mu) / jnp.sqrt(var + eps) * g + b


def setup_inputs(seed: int = 0):
    key = jax.random.key(seed)
    ks = jax.random.split(key, 8)
    x = jax.random.normal(ks[0], (B, N, D), dtype=jnp.float32)
    Wg = jax.random.normal(ks[1], (E, D), dtype=jnp.float32) * 0.02
    bg = jnp.zeros((E,), dtype=jnp.float32)
    W1 = jax.random.normal(ks[2], (E, D, D), dtype=jnp.float32) * 0.02
    b1 = jnp.zeros((E, D), dtype=jnp.float32)
    g1 = jnp.ones((E, D), dtype=jnp.float32)
    be1 = jnp.zeros((E, D), dtype=jnp.float32)
    W2 = jax.random.normal(ks[3], (E, D, D), dtype=jnp.float32) * 0.02
    b2 = jnp.zeros((E, D), dtype=jnp.float32)
    g2 = jnp.ones((E, D), dtype=jnp.float32)
    be2 = jnp.zeros((E, D), dtype=jnp.float32)
    return {"x": x, "Wg": Wg, "bg": bg, "W1": W1, "b1": b1, "g1": g1, "be1": be1, "W2": W2, "b2": b2, "g2": g2, "be2": be2}


def _expert_all(xf, W1, b1, g1, be1, W2, b2, g2, be2):
    # xf: [T, D] -> out: [E, T, D] (every expert applied to every token)
    h = jnp.einsum('td,eod->eto', xf, W1) + b1[:, None, :]
    h = layer_norm(h, g1[:, None, :], be1[:, None, :])
    h = jax.nn.relu(h)
    out = jnp.einsum('eth,eoh->eto', h, W2) + b2[:, None, :]
    out = layer_norm(out, g2[:, None, :], be2[:, None, :])
    return out


def reference(x, Wg, bg, W1, b1, g1, be1, W2, b2, g2, be2):
    B_, N_, D_ = x.shape
    T = B_ * N_
    xf = x.reshape(T, D_)
    gate_scores = xf @ Wg.T + bg  # [T, E]
    g3 = gate_scores.reshape(B_, N_, -1)
    topk_scores, topk_idx = jax.lax.top_k(g3, K)
    neg_scores, bottomk_idx = jax.lax.top_k(-g3, K)
    bottomk_scores = -neg_scores  # ascending, matching torch largest=False
    all_out = _expert_all(xf, W1, b1, g1, be1, W2, b2, g2, be2)  # [E, T, D]
    tok = jnp.arange(T)[:, None]  # [T, 1]
    top_idx_f = topk_idx.reshape(T, K)
    bot_idx_f = bottomk_idx.reshape(T, K)
    e_top = all_out[top_idx_f, tok, :].reshape(B_, N_, K, D_)
    e_bot = all_out[bot_idx_f, tok, :].reshape(B_, N_, K, D_)
    w_top = jax.nn.softmax(topk_scores, axis=2)[..., None]
    w_bot = jax.nn.softmax(bottomk_scores, axis=2)[..., None]
    output_top = (w_top * e_top).sum(axis=2)
    output_bottom = (w_bot * e_bot).sum(axis=2)
    A_flat = output_top.reshape(B_, -1)
    B_flat = output_bottom.reshape(B_, -1)
    dist = jnp.linalg.norm(A_flat - B_flat, ord=2, axis=-1)
    orthogonality_loss = (1.0 / (dist + 1e-8)).mean()
    output = output_top + x
    return (output, output_top, output_bottom, orthogonality_loss)

if __name__ == "__main__":
    import jax
    _d = setup_inputs()
    print(jax.jit(kernel)(*tuple(_d.values())))

</pallas_src>

<mosaic_0001>
#map = affine_map<(d0, d1) -> (0, 0)>
#map1 = affine_map<(d0, d1) -> (0)>
module attributes {stable_mosaic.version = 14 : i64} {
  func.func @k(%arg0: i32, %arg1: i32, %arg2: memref<10240x1024xf32, #tpu.memory_space<hbm>>, %arg3: memref<8192xi32, #tpu.memory_space<hbm>>, %arg4: memref<8192x1024xf32, #tpu.memory_space<hbm>>, %arg5: memref<64xi32, #tpu.memory_space<vmem>>, %arg6: memref<64x1024xf32, #tpu.memory_space<vmem>>, %arg7: memref<!tpu.dma_semaphore, #tpu.memory_space<semaphore_mem>>) attributes {dimension_semantics = [#tpu.dimension_semantics<core_parallel>, #tpu.dimension_semantics<subcore_parallel>], iteration_bounds = array<i64: 2, 16>, scalar_prefetch = 0 : i64, scratch_operands = 3 : i64, tpu.core_type = #tpu.core_type<sc_vector_subcore>, window_params = [{transform_indices = #map}, {transform_indices = #map1}, {transform_indices = #map}]} {
    %mul3A = arith.constant 2 : i32
    %mul3A_0 = arith.muli %arg1, %mul3A : i32
    %add3A = arith.addi %mul3A_0, %arg0 : i32
    %mul3A_1 = arith.constant 256 : i32
    %mul3A_2 = arith.muli %add3A, %mul3A_1 : i32
    %scan3A = arith.constant 0 : i32
    %scan3A_3 = arith.constant 0 : i32
    %scan3A_4 = arith.constant 4 : i32
    %scan3A_5 = arith.addi %scan3A_3, %scan3A_4 : i32
    %scan3A_6 = arith.constant 1 : i32
    scf.for %scan3A_8 = %scan3A_3 to %scan3A_5 step %scan3A_6  : i32 {
      %mul3A_9 = arith.constant 64 : i32
      %mul3A_10 = arith.muli %scan3A_8, %mul3A_9 : i32
      %add3A_11 = arith.addi %mul3A_2, %mul3A_10 : i32
      "tpu.region"() ({
        %run_scoped3A = tpu.sem_alloc : memref<!tpu.dma_semaphore, #tpu.memory_space<semaphore_mem>>
        %dma_start3A_16 = tpu.memref_slice %arg3[%add3A_11] : memref<8192xi32, #tpu.memory_space<hbm>> -> memref<64xi32, #tpu.memory_space<hbm>>
        %dma_start3A_17 = tpu.memref_slice %arg3[%add3A_11] : memref<8192xi32, #tpu.memory_space<hbm>> -> memref<64xi32, #tpu.memory_space<hbm>>
        tpu.enqueue_dma source(%dma_start3A_17 : memref<64xi32, #tpu.memory_space<hbm>>) target(%arg5 : memref<64xi32, #tpu.memory_space<vmem>>) target_semaphore(%run_scoped3A : memref<!tpu.dma_semaphore, #tpu.memory_space<semaphore_mem>>)
        %dma_wait3A_18 = tpu.memref_slice %arg3[%add3A_11] : memref<8192xi32, #tpu.memory_space<hbm>> -> memref<64xi32, #tpu.memory_space<hbm>>
        %dma_wait3A_19 = tpu.memref_slice %arg3[%add3A_11] : memref<8192xi32, #tpu.memory_space<hbm>> -> memref<64xi32, #tpu.memory_space<hbm>>
        tpu.wait_dma2 semaphore(%run_scoped3A : memref<!tpu.dma_semaphore, #tpu.memory_space<semaphore_mem>>) src(%dma_wait3A_19 : memref<64xi32, #tpu.memory_space<hbm>>) dst(%arg5 : memref<64xi32, #tpu.memory_space<vmem>>)
        tpu.yield
      }) : () -> ()
      %dma_start3A = arith.constant 0 : i32
      %dma_start3A_12 = arith.constant 0 : i32
      %dma_start3A_13 = tpu.memref_slice %arg2[%dma_start3A, %dma_start3A_12] : memref<10240x1024xf32, #tpu.memory_space<hbm>> -> memref<10240x1024xf32, #tpu.memory_space<hbm>>
      tpu.enqueue_indirect_dma source(%dma_start3A_13 : memref<10240x1024xf32, #tpu.memory_space<hbm>>) target(%arg6 : memref<64x1024xf32, #tpu.memory_space<vmem>>) offsets(%arg5 : memref<64xi32, #tpu.memory_space<vmem>>) semaphore(%arg7 : memref<!tpu.dma_semaphore, #tpu.memory_space<semaphore_mem>>)
      %dma_wait3A = arith.constant 0 : i32
      %dma_wait3A_14 = arith.constant 0 : i32
      %dma_wait3A_15 = tpu.memref_slice %arg2[%dma_wait3A, %dma_wait3A_14] : memref<10240x1024xf32, #tpu.memory_space<hbm>> -> memref<10240x1024xf32, #tpu.memory_space<hbm>>
      tpu.wait_indirect_dma semaphore(%arg7 : memref<!tpu.dma_semaphore, #tpu.memory_space<semaphore_mem>>) src(%dma_wait3A_15 : memref<10240x1024xf32, #tpu.memory_space<hbm>>) dst(%arg6 : memref<64x1024xf32, #tpu.memory_space<vmem>>)
      "tpu.region"() ({
        %run_scoped3A = tpu.sem_alloc : memref<!tpu.dma_semaphore, #tpu.memory_space<semaphore_mem>>
        %dma_start3A_16 = arith.constant 0 : i32
        %dma_start3A_17 = tpu.memref_slice %arg4[%add3A_11, %dma_start3A_16] : memref<8192x1024xf32, #tpu.memory_space<hbm>> -> memref<64x1024xf32, #tpu.memory_space<hbm>>
        %dma_start3A_18 = arith.constant 0 : i32
        %dma_start3A_19 = tpu.memref_slice %arg4[%add3A_11, %dma_start3A_18] : memref<8192x1024xf32, #tpu.memory_space<hbm>> -> memref<64x1024xf32, #tpu.memory_space<hbm>>
        tpu.enqueue_dma source(%arg6 : memref<64x1024xf32, #tpu.memory_space<vmem>>) target(%dma_start3A_19 : memref<64x1024xf32, #tpu.memory_space<hbm>>) target_semaphore(%run_scoped3A : memref<!tpu.dma_semaphore, #tpu.memory_space<semaphore_mem>>)
        %dma_wait3A_20 = arith.constant 0 : i32
        %dma_wait3A_21 = tpu.memref_slice %arg4[%add3A_11, %dma_wait3A_20] : memref<8192x1024xf32, #tpu.memory_space<hbm>> -> memref<64x1024xf32, #tpu.memory_space<hbm>>
        %dma_wait3A_22 = arith.constant 0 : i32
        %dma_wait3A_23 = tpu.memref_slice %arg4[%add3A_11, %dma_wait3A_22] : memref<8192x1024xf32, #tpu.memory_space<hbm>> -> memref<64x1024xf32, #tpu.memory_space<hbm>>
        tpu.wait_dma2 semaphore(%run_scoped3A : memref<!tpu.dma_semaphore, #tpu.memory_space<semaphore_mem>>) src(%arg6 : memref<64x1024xf32, #tpu.memory_space<vmem>>) dst(%dma_wait3A_23 : memref<64x1024xf32, #tpu.memory_space<hbm>>)
        tpu.yield
      }) : () -> ()
    }
    %scan3A_7 = arith.constant 4 : i32
    return
  }
}

module attributes {stable_mosaic.version = 14 : i64} {
  func.func @_gate_body(%arg0: memref<2048x1024xf32, #tpu.memory_space<vmem>>, %arg1: memref<8x1024xf32, #tpu.memory_space<vmem>>, %arg2: memref<8x1xf32, #tpu.memory_space<vmem>>, %arg3: memref<4x2048xi32, #tpu.memory_space<vmem>>, %arg4: memref<4x2048xf32, #tpu.memory_space<vmem>>, %arg5: memref<1x40xi32, #tpu.memory_space<vmem>>, %arg6: memref<2048x1024xbf16, #tpu.memory_space<vmem>>) attributes {dimension_semantics = [], scalar_prefetch = 0 : i64, scratch_operands = 0 : i64, tpu.core_type = #tpu.core_type<tc>} {
    %get3A = arith.constant 0 : index
    %get3A_0 = arith.constant 0 : index
    %get3A_1 = vector.load %arg1[%get3A, %get3A_0] : memref<8x1024xf32, #tpu.memory_space<vmem>>, vector<8x1024xf32>
    %get3A_2 = arith.constant 0 : index
    %get3A_3 = arith.constant 0 : index
    %get3A_4 = vector.load %arg0[%get3A_2, %get3A_3] : memref<2048x1024xf32, #tpu.memory_space<vmem>>, vector<2048x1024xf32>
    %dot_general3A = arith.constant dense<0.000000e+00> : vector<8x2048xf32>
    %dot_general3A_5 = tpu.matmul %get3A_1, %get3A_4, %dot_general3A {dimension_numbers = #tpu.dot_dimension_numbers<[1], [1], [0], [0], [0, 0, 1, 0], [], []>, transpose_lhs_hint = false} : vector<8x1024xf32>, vector<2048x1024xf32>, vector<8x2048xf32> -> vector<8x2048xf32>
    %get3A_6 = arith.constant 0 : index
    %get3A_7 = arith.constant 0 : index
    %get3A_8 = vector.load %arg2[%get3A_6, %get3A_7] : memref<8x1xf32, #tpu.memory_space<vmem>>, vector<8x1xf32>
    %add3A = vector.broadcast %get3A_8 : vector<8x1xf32> to vector<8x2048xf32>
    %add3A_9 = arith.addf %dot_general3A_5, %add3A : vector<8x2048xf32>
    %iota3A = tpu.iota {dimensions = array<i32: 0>} : vector<8x2048xi32>
    %reduce_max3A = arith.constant dense<0xFF800000> : vector<2048xf32>
    %reduce_max3A_10 = vector.multi_reduction <maximumf>, %add3A_9, %reduce_max3A [0] : vector<8x2048xf32> to vector<2048xf32>
    %broadcast_in_dim3A = vector.shape_cast %reduce_max3A_10 : vector<2048xf32> to vector<1x2048xf32>
    %eq3A = vector.broadcast %broadcast_in_dim3A : vector<1x2048xf32> to vector<8x2048xf32>
    %eq3A_11 = arith.cmpf oeq, %add3A_9, %eq3A : vector<8x2048xf32>
    %jit3A = arith.constant 8 : i32
    %broadcast_in_dim3A_12 = vector.broadcast %jit3A : i32 to vector<8x2048xi32>
    %select_n3A = arith.select %eq3A_11, %iota3A, %broadcast_in_dim3A_12 : vector<8x2048xi1>, vector<8x2048xi32>
    %reduce_min3A = arith.constant dense<2147483647> : vector<2048xi32>
    %reduce_min3A_13 = vector.multi_reduction <minsi>, %select_n3A, %reduce_min3A [0] : vector<8x2048xi32> to vector<2048xi32>
    %broadcast_in_dim3A_14 = vector.shape_cast %reduce_min3A_13 : vector<2048xi32> to vector<1x2048xi32>
    %eq3A_15 = vector.broadcast %broadcast_in_dim3A_14 : vector<1x2048xi32> to vector<8x2048xi32>
    %eq3A_16 = arith.cmpi eq, %iota3A, %eq3A_15 : vector<8x2048xi32>
    %jit3A_17 = arith.constant -1.000000e+30 : f32
    %broadcast_in_dim3A_18 = vector.broadcast %jit3A_17 : f32 to vector<8x2048xf32>
    %select_n3A_19 = arith.select %eq3A_16, %broadcast_in_dim3A_18, %add3A_9 : vector<8x2048xi1>, vector<8x2048xf32>
    %reduce_max3A_20 = arith.constant dense<0xFF800000> : vector<2048xf32>
    %reduce_max3A_21 = vector.multi_reduction <maximumf>, %select_n3A_19, %reduce_max3A_20 [0] : vector<8x2048xf32> to vector<2048xf32>
    %broadcast_in_dim3A_22 = vector.shape_cast %reduce_max3A_21 : vector<2048xf32> to vector<1x2048xf32>
    %eq3A_23 = vector.broadcast %broadcast_in_dim3A_22 : vector<1x2048xf32> to vector<8x2048xf32>
    %eq3A_24 = arith.cmpf oeq, %select_n3A_19, %eq3A_23 : vector<8x2048xf32>
    %jit3A_25 = arith.constant 8 : i32
    %broadcast_in_dim3A_26 = vector.broadcast %jit3A_25 : i32 to vector<8x2048xi32>
    %select_n3A_27 = arith.select %eq3A_24, %iota3A, %broadcast_in_dim3A_26 : vector<8x2048xi1>, vector<8x2048xi32>
    %reduce_min3A_28 = arith.constant dense<2147483647> : vector<2048xi32>
    %reduce_min3A_29 = vector.multi_reduction <minsi>, %select_n3A_27, %reduce_min3A_28 [0] : vector<8x2048xi32> to vector<2048xi32>
    %broadcast_in_dim3A_30 = vector.shape_cast %reduce_min3A_29 : vector<2048xi32> to vector<1x2048xi32>
    %eq3A_31 = vector.broadcast %broadcast_in_dim3A_30 : vector<1x2048xi32> to vector<8x2048xi32>
    %eq3A_32 = arith.cmpi eq, %iota3A, %eq3A_31 : vector<8x2048xi32>
    %reduce_min3A_33 = arith.constant dense<0x7F800000> : vector<2048xf32>
    %reduce_min3A_34 = vector.multi_reduction <minimumf>, %add3A_9, %reduce_min3A_33 [0] : vector<8x2048xf32> to vector<2048xf32>
    %broadcast_in_dim3A_35 = vector.shape_cast %reduce_min3A_34 : vector<2048xf32> to vector<1x2048xf32>
    %eq3A_36 = vector.broadcast %broadcast_in_dim3A_35 : vector<1x2048xf32> to vector<8x2048xf32>
    %eq3A_37 = arith.cmpf oeq, %add3A_9, %eq3A_36 : vector<8x2048xf32>
    %jit3A_38 = arith.constant 8 : i32
    %broadcast_in_dim3A_39 = vector.broadcast %jit3A_38 : i32 to vector<8x2048xi32>
    %select_n3A_40 = arith.select %eq3A_37, %iota3A, %broadcast_in_dim3A_39 : vector<8x2048xi1>, vector<8x2048xi32>
    %reduce_min3A_41 = arith.constant dense<2147483647> : vector<2048xi32>
    %reduce_min3A_42 = vector.multi_reduction <minsi>, %select_n3A_40, %reduce_min3A_41 [0] : vector<8x2048xi32> to vector<2048xi32>
    %broadcast_in_dim3A_43 = vector.shape_cast %reduce_min3A_42 : vector<2048xi32> to vector<1x2048xi32>
    %eq3A_44 = vector.broadcast %broadcast_in_dim3A_43 : vector<1x2048xi32> to vector<8x2048xi32>
    %eq3A_45 = arith.cmpi eq, %iota3A, %eq3A_44 : vector<8x2048xi32>
    %jit3A_46 = arith.constant 1.000000e+30 : f32
    %broadcast_in_dim3A_47 = vector.broadcast %jit3A_46 : f32 to vector<8x2048xf32>
    %select_n3A_48 = arith.select %eq3A_45, %broadcast_in_dim3A_47, %add3A_9 : vector<8x2048xi1>, vector<8x2048xf32>
    %reduce_min3A_49 = arith.constant dense<0x7F800000> : vector<2048xf32>
    %reduce_min3A_50 = vector.multi_reduction <minimumf>, %select_n3A_48, %reduce_min3A_49 [0] : vector<8x2048xf32> to vector<2048xf32>
    %broadcast_in_dim3A_51 = vector.shape_cast %reduce_min3A_50 : vector<2048xf32> to vector<1x2048xf32>
    %eq3A_52 = vector.broadcast %broadcast_in_dim3A_51 : vector<1x2048xf32> to vector<8x2048xf32>
    %eq3A_53 = arith.cmpf oeq, %select_n3A_48, %eq3A_52 : vector<8x2048xf32>
    %jit3A_54 = arith.constant 8 : i32
    %broadcast_in_dim3A_55 = vector.broadcast %jit3A_54 : i32 to vector<8x2048xi32>
    %select_n3A_56 = arith.select %eq3A_53, %iota3A, %broadcast_in_dim3A_55 : vector<8x2048xi1>, vector<8x2048xi32>
    %reduce_min3A_57 = arith.constant dense<2147483647> : vector<2048xi32>
    %reduce_min3A_58 = vector.multi_reduction <minsi>, %select_n3A_56, %reduce_min3A_57 [0] : vector<8x2048xi32> to vector<2048xi32>
    %broadcast_in_dim3A_59 = vector.shape_cast %reduce_min3A_58 : vector<2048xi32> to vector<1x2048xi32>
    %eq3A_60 = vector.broadcast %broadcast_in_dim3A_59 : vector<1x2048xi32> to vector<8x2048xi32>
    %eq3A_61 = arith.cmpi eq, %iota3A, %eq3A_60 : vector<8x2048xi32>
    %sub3A = arith.subf %broadcast_in_dim3A_22, %broadcast_in_dim3A : vector<1x2048xf32>
    %exp3A = math.exp %sub3A : vector<1x2048xf32>
    %add3A_62 = arith.constant 1.000000e+00 : f32
    %add3A_63 = vector.broadcast %add3A_62 : f32 to vector<1x2048xf32>
    %add3A_64 = arith.addf %add3A_63, %exp3A : vector<1x2048xf32>
    %sub3A_65 = arith.subf %broadcast_in_dim3A_35, %broadcast_in_dim3A_51 : vector<1x2048xf32>
    %exp3A_66 = math.exp %sub3A_65 : vector<1x2048xf32>
    %add3A_67 = arith.constant 1.000000e+00 : f32
    %add3A_68 = vector.broadcast %add3A_67 : f32 to vector<1x2048xf32>
    %add3A_69 = arith.addf %add3A_68, %exp3A_66 : vector<1x2048xf32>
    %div3A = arith.constant 1.000000e+00 : f32
    %div3A_70 = vector.broadcast %div3A : f32 to vector<1x2048xf32>
    %div3A_71 = arith.divf %div3A_70, %add3A_64 : vector<1x2048xf32>
    %div3A_72 = arith.divf %exp3A, %add3A_64 : vector<1x2048xf32>
    %div3A_73 = arith.divf %exp3A_66, %add3A_69 : vector<1x2048xf32>
    %div3A_74 = arith.constant 1.000000e+00 : f32
    %div3A_75 = vector.broadcast %div3A_74 : f32 to vector<1x2048xf32>
    %div3A_76 = arith.divf %div3A_75, %add3A_69 : vector<1x2048xf32>
    %concatenate3A = tpu.concatenate %div3A_71, %div3A_72, %div3A_73, %div3A_76 in 0 : vector<1x2048xf32>, vector<1x2048xf32>, vector<1x2048xf32>, vector<1x2048xf32> -> vector<4x2048xf32>
    %swap3A = arith.constant 0 : index
    %swap3A_77 = arith.constant 0 : index
    %swap3A_78 = vector.load %arg4[%swap3A, %swap3A_77] : memref<4x2048xf32, #tpu.memory_space<vmem>>, vector<4x2048xf32>
    tpu.vector_store %arg4[%swap3A, %swap3A_77], %concatenate3A {strides = array<i32>} : memref<4x2048xf32, #tpu.memory_space<vmem>>, vector<4x2048xf32>,
    %get3A_79 = arith.constant 0 : index
    %get3A_80 = arith.constant 0 : index
    %get3A_81 = vector.load %arg0[%get3A_79, %get3A_80] : memref<2048x1024xf32, #tpu.memory_space<vmem>>, vector<2048x1024xf32>
    %convert_element_type3A = arith.truncf %get3A_81 : vector<2048x1024xf32> to vector<2048x1024xbf16>
    %swap3A_82 = arith.constant 0 : index
    %swap3A_83 = arith.constant 0 : index
    %swap3A_84 = vector.load %arg6[%swap3A_82, %swap3A_83] : memref<2048x1024xbf16, #tpu.memory_space<vmem>>, vector<2048x1024xbf16>
    tpu.vector_store %arg6[%swap3A_82, %swap3A_83], %convert_element_type3A {strides = array<i32>} : memref<2048x1024xbf16, #tpu.memory_space<vmem>>, vector<2048x1024xbf16>,
    %jit3A_85 = arith.constant 1.000000e+00 : f32
    %jit3A_86 = arith.constant 0.000000e+00 : f32
    %broadcast_in_dim3A_87 = vector.broadcast %jit3A_85 : f32 to vector<8x2048xf32>
    %broadcast_in_dim3A_88 = vector.broadcast %jit3A_86 : f32 to vector<8x2048xf32>
    %select_n3A_89 = arith.select %eq3A_16, %broadcast_in_dim3A_87, %broadcast_in_dim3A_88 : vector<8x2048xi1>, vector<8x2048xf32>
    %jit3A_90 = arith.constant 1.000000e+00 : f32
    %jit3A_91 = arith.constant 0.000000e+00 : f32
    %broadcast_in_dim3A_92 = vector.broadcast %jit3A_90 : f32 to vector<8x2048xf32>
    %broadcast_in_dim3A_93 = vector.broadcast %jit3A_91 : f32 to vector<8x2048xf32>
    %select_n3A_94 = arith.select %eq3A_32, %broadcast_in_dim3A_92, %broadcast_in_dim3A_93 : vector<8x2048xi1>, vector<8x2048xf32>
    %add3A_95 = arith.addf %select_n3A_89, %select_n3A_94 : vector<8x2048xf32>
    %jit3A_96 = arith.constant 1.000000e+00 : f32
    %jit3A_97 = arith.constant 0.000000e+00 : f32
    %broadcast_in_dim3A_98 = vector.broadcast %jit3A_96 : f32 to vector<8x2048xf32>
    %broadcast_in_dim3A_99 = vector.broadcast %jit3A_97 : f32 to vector<8x2048xf32>
    %select_n3A_100 = arith.select %eq3A_45, %broadcast_in_dim3A_98, %broadcast_in_dim3A_99 : vector<8x2048xi1>, vector<8x2048xf32>
    %add3A_101 = arith.addf %add3A_95, %select_n3A_100 : vector<8x2048xf32>
    %jit3A_102 = arith.constant 1.000000e+00 : f32
    %jit3A_103 = arith.constant 0.000000e+00 : f32
    %broadcast_in_dim3A_104 = vector.broadcast %jit3A_102 : f32 to vector<8x2048xf32>
    %broadcast_in_dim3A_105 = vector.broadcast %jit3A_103 : f32 to vector<8x2048xf32>
    %select_n3A_106 = arith.select %eq3A_61, %broadcast_in_dim3A_104, %broadcast_in_dim3A_105 : vector<8x2048xi1>, vector<8x2048xf32>
    %add3A_107 = arith.addf %add3A_101, %select_n3A_106 : vector<8x2048xf32>
    %iota3A_108 = tpu.iota {dimensions = array<i32: 0>} : vector<2048x2048xi32>
    %iota3A_109 = tpu.iota {dimensions = array<i32: 1>} : vector<2048x2048xi32>
    %lt3A = arith.cmpi slt, %iota3A_108, %iota3A_109 : vector<2048x2048xi32>
    %convert_element_type3A_110 = arith.extui %lt3A : vector<2048x2048xi1> to vector<2048x2048xi32>
    %convert_element_type3A_111 = arith.sitofp %convert_element_type3A_110 : vector<2048x2048xi32> to vector<2048x2048xf32>
    %convert_element_type3A_112 = arith.truncf %convert_element_type3A_111 : vector<2048x2048xf32> to vector<2048x2048xbf16>
    %convert_element_type3A_113 = arith.truncf %add3A_107 : vector<8x2048xf32> to vector<8x2048xbf16>
    %dot_general3A_114 = arith.constant dense<0.000000e+00> : vector<8x2048xf32>
    %dot_general3A_115 = tpu.matmul %convert_element_type3A_113, %convert_element_type3A_112, %dot_general3A_114 {dimension_numbers = #tpu.dot_dimension_numbers<[1], [0], [0], [1], [0, 0, 1, 1], [], []>, transpose_lhs_hint = false} : vector<8x2048xbf16>, vector<2048x2048xbf16>, vector<8x2048xf32> -> vector<8x2048xf32>
    %reduce_sum3A = arith.constant dense<0.000000e+00> : vector<8xf32>
    %reduce_sum3A_116 = vector.multi_reduction <add>, %add3A_107, %reduce_sum3A [1] : vector<8x2048xf32> to vector<8xf32>
    %broadcast_in_dim3A_117 = vector.shape_cast %reduce_sum3A_116 : vector<8xf32> to vector<8x1xf32>
    %add3A_118 = arith.constant 2.550000e+02 : f32
    %add3A_119 = vector.broadcast %add3A_118 : f32 to vector<8x1xf32>
    %add3A_120 = arith.addf %broadcast_in_dim3A_117, %add3A_119 : vector<8x1xf32>
    %mul3A = arith.constant 3.906250e-03 : f32
    %mul3A_121 = vector.broadcast %mul3A : f32 to vector<8x1xf32>
    %mul3A_122 = arith.mulf %add3A_120, %mul3A_121 : vector<8x1xf32>
    %floor3A = math.floor %mul3A_122 : vector<8x1xf32>
    %iota3A_123 = tpu.iota {dimensions = array<i32: 0>} : vector<8x8xi32>
    %iota3A_124 = tpu.iota {dimensions = array<i32: 1>} : vector<8x8xi32>
    %lt3A_125 = arith.cmpi slt, %iota3A_123, %iota3A_124 : vector<8x8xi32>
    %convert_element_type3A_126 = arith.extui %lt3A_125 : vector<8x8xi1> to vector<8x8xi32>
    %convert_element_type3A_127 = arith.sitofp %convert_element_type3A_126 : vector<8x8xi32> to vector<8x8xf32>
    %dot_general3A_128 = arith.constant dense<0.000000e+00> : vector<8x1xf32>
    %dot_general3A_129 = tpu.matmul %convert_element_type3A_127, %floor3A, %dot_general3A_128 {dimension_numbers = #tpu.dot_dimension_numbers<[0], [0], [1], [1], [0, 1, 1, 1], [], []>, transpose_lhs_hint = false} : vector<8x8xf32>, vector<8x1xf32>, vector<8x1xf32> -> vector<8x1xf32>
    %mul3A_130 = arith.constant 2.560000e+02 : f32
    %mul3A_131 = vector.broadcast %mul3A_130 : f32 to vector<8x1xf32>
    %mul3A_132 = arith.mulf %dot_general3A_129, %mul3A_131 : vector<8x1xf32>
    %add3A_133 = arith.addf %dot_general3A_129, %floor3A : vector<8x1xf32>
    %jit3A_134 = arith.constant 0.000000e+00 : f32
    %broadcast_in_dim3A_135 = vector.broadcast %jit3A_134 : f32 to vector<8x2048xf32>
    %select_n3A_136 = arith.select %eq3A_16, %dot_general3A_115, %broadcast_in_dim3A_135 : vector<8x2048xi1>, vector<8x2048xf32>
    %reduce_sum3A_137 = arith.constant dense<0.000000e+00> : vector<2048xf32>
    %reduce_sum3A_138 = vector.multi_reduction <add>, %select_n3A_136, %reduce_sum3A_137 [0] : vector<8x2048xf32> to vector<2048xf32>
    %broadcast_in_dim3A_139 = vector.shape_cast %reduce_sum3A_138 : vector<2048xf32> to vector<1x2048xf32>
    %broadcast_in_dim3A_140 = arith.constant 1.000000e+00 : f32
    %broadcast_in_dim3A_141 = vector.broadcast %broadcast_in_dim3A_140 : f32 to vector<8x2048xf32>
    %mul3A_142 = vector.broadcast %mul3A_132 : vector<8x1xf32> to vector<8x2048xf32>
    %mul3A_143 = arith.mulf %mul3A_142, %broadcast_in_dim3A_141 : vector<8x2048xf32>
    %jit3A_144 = arith.constant 0.000000e+00 : f32
    %broadcast_in_dim3A_145 = vector.broadcast %jit3A_144 : f32 to vector<8x2048xf32>
    %select_n3A_146 = arith.select %eq3A_16, %mul3A_143, %broadcast_in_dim3A_145 : vector<8x2048xi1>, vector<8x2048xf32>
    %reduce_sum3A_147 = arith.constant dense<0.000000e+00> : vector<2048xf32>
    %reduce_sum3A_148 = vector.multi_reduction <add>, %select_n3A_146, %reduce_sum3A_147 [0] : vector<8x2048xf32> to vector<2048xf32>
    %broadcast_in_dim3A_149 = vector.shape_cast %reduce_sum3A_148 : vector<2048xf32> to vector<1x2048xf32>
    %add3A_150 = arith.addf %broadcast_in_dim3A_139, %broadcast_in_dim3A_149 : vector<1x2048xf32>
    %jit3A_151 = arith.constant 0.000000e+00 : f32
    %broadcast_in_dim3A_152 = vector.broadcast %jit3A_151 : f32 to vector<8x2048xf32>
    %select_n3A_153 = arith.select %eq3A_32, %dot_general3A_115, %broadcast_in_dim3A_152 : vector<8x2048xi1>, vector<8x2048xf32>
    %reduce_sum3A_154 = arith.constant dense<0.000000e+00> : vector<2048xf32>
    %reduce_sum3A_155 = vector.multi_reduction <add>, %select_n3A_153, %reduce_sum3A_154 [0] : vector<8x2048xf32> to vector<2048xf32>
    %broadcast_in_dim3A_156 = vector.shape_cast %reduce_sum3A_155 : vector<2048xf32> to vector<1x2048xf32>
    %broadcast_in_dim3A_157 = arith.constant 1.000000e+00 : f32
    %broadcast_in_dim3A_158 = vector.broadcast %broadcast_in_dim3A_157 : f32 to vector<8x2048xf32>
    %mul3A_159 = vector.broadcast %mul3A_132 : vector<8x1xf32> to vector<8x2048xf32>
    %mul3A_160 = arith.mulf %mul3A_159, %broadcast_in_dim3A_158 : vector<8x2048xf32>
    %jit3A_161 = arith.constant 0.000000e+00 : f32
    %broadcast_in_dim3A_162 = vector.broadcast %jit3A_161 : f32 to vector<8x2048xf32>
    %select_n3A_163 = arith.select %eq3A_32, %mul3A_160, %broadcast_in_dim3A_162 : vector<8x2048xi1>, vector<8x2048xf32>
    %reduce_sum3A_164 = arith.constant dense<0.000000e+00> : vector<2048xf32>
    %reduce_sum3A_165 = vector.multi_reduction <add>, %select_n3A_163, %reduce_sum3A_164 [0] : vector<8x2048xf32> to vector<2048xf32>
    %broadcast_in_dim3A_166 = vector.shape_cast %reduce_sum3A_165 : vector<2048xf32> to vector<1x2048xf32>
    %add3A_167 = arith.addf %broadcast_in_dim3A_156, %broadcast_in_dim3A_166 : vector<1x2048xf32>
    %jit3A_168 = arith.constant 0.000000e+00 : f32
    %broadcast_in_dim3A_169 = vector.broadcast %jit3A_168 : f32 to vector<8x2048xf32>
    %select_n3A_170 = arith.select %eq3A_45, %dot_general3A_115, %broadcast_in_dim3A_169 : vector<8x2048xi1>, vector<8x2048xf32>
    %reduce_sum3A_171 = arith.constant dense<0.000000e+00> : vector<2048xf32>
    %reduce_sum3A_172 = vector.multi_reduction <add>, %select_n3A_170, %reduce_sum3A_171 [0] : vector<8x2048xf32> to vector<2048xf32>
    %broadcast_in_dim3A_173 = vector.shape_cast %reduce_sum3A_172 : vector<2048xf32> to vector<1x2048xf32>
    %broadcast_in_dim3A_174 = arith.constant 1.000000e+00 : f32
    %broadcast_in_dim3A_175 = vector.broadcast %broadcast_in_dim3A_174 : f32 to vector<8x2048xf32>
    %mul3A_176 = vector.broadcast %mul3A_132 : vector<8x1xf32> to vector<8x2048xf32>
    %mul3A_177 = arith.mulf %mul3A_176, %broadcast_in_dim3A_175 : vector<8x2048xf32>
    %jit3A_178 = arith.constant 0.000000e+00 : f32
    %broadcast_in_dim3A_179 = vector.broadcast %jit3A_178 : f32 to vector<8x2048xf32>
    %select_n3A_180 = arith.select %eq3A_45, %mul3A_177, %broadcast_in_dim3A_179 : vector<8x2048xi1>, vector<8x2048xf32>
    %reduce_sum3A_181 = arith.constant dense<0.000000e+00> : vector<2048xf32>
    %reduce_sum3A_182 = vector.multi_reduction <add>, %select_n3A_180, %reduce_sum3A_181 [0] : vector<8x2048xf32> to vector<2048xf32>
    %broadcast_in_dim3A_183 = vector.shape_cast %reduce_sum3A_182 : vector<2048xf32> to vector<1x2048xf32>
    %add3A_184 = arith.addf %broadcast_in_dim3A_173, %broadcast_in_dim3A_183 : vector<1x2048xf32>
    %eq3A_185 = arith.cmpi eq, %broadcast_in_dim3A_43, %broadcast_in_dim3A_14 : vector<1x2048xi32>
    %jit3A_186 = arith.constant 1.000000e+00 : f32
    %jit3A_187 = arith.constant 0.000000e+00 : f32
    %broadcast_in_dim3A_188 = vector.broadcast %jit3A_186 : f32 to vector<1x2048xf32>
    %broadcast_in_dim3A_189 = vector.broadcast %jit3A_187 : f32 to vector<1x2048xf32>
    %select_n3A_190 = arith.select %eq3A_185, %broadcast_in_dim3A_188, %broadcast_in_dim3A_189 : vector<1x2048xi1>, vector<1x2048xf32>
    %add3A_191 = arith.addf %add3A_184, %select_n3A_190 : vector<1x2048xf32>
    %eq3A_192 = arith.cmpi eq, %broadcast_in_dim3A_43, %broadcast_in_dim3A_30 : vector<1x2048xi32>
    %jit3A_193 = arith.constant 1.000000e+00 : f32
    %jit3A_194 = arith.constant 0.000000e+00 : f32
    %broadcast_in_dim3A_195 = vector.broadcast %jit3A_193 : f32 to vector<1x2048xf32>
    %broadcast_in_dim3A_196 = vector.broadcast %jit3A_194 : f32 to vector<1x2048xf32>
    %select_n3A_197 = arith.select %eq3A_192, %broadcast_in_dim3A_195, %broadcast_in_dim3A_196 : vector<1x2048xi1>, vector<1x2048xf32>
    %add3A_198 = arith.addf %add3A_191, %select_n3A_197 : vector<1x2048xf32>
    %jit3A_199 = arith.constant 0.000000e+00 : f32
    %broadcast_in_dim3A_200 = vector.broadcast %jit3A_199 : f32 to vector<8x2048xf32>
    %select_n3A_201 = arith.select %eq3A_61, %dot_general3A_115, %broadcast_in_dim3A_200 : vector<8x2048xi1>, vector<8x2048xf32>
    %reduce_sum3A_202 = arith.constant dense<0.000000e+00> : vector<2048xf32>
    %reduce_sum3A_203 = vector.multi_reduction <add>, %select_n3A_201, %reduce_sum3A_202 [0] : vector<8x2048xf32> to vector<2048xf32>
    %broadcast_in_dim3A_204 = vector.shape_cast %reduce_sum3A_203 : vector<2048xf32> to vector<1x2048xf32>
    %broadcast_in_dim3A_205 = arith.constant 1.000000e+00 : f32
    %broadcast_in_dim3A_206 = vector.broadcast %broadcast_in_dim3A_205 : f32 to vector<8x2048xf32>
    %mul3A_207 = vector.broadcast %mul3A_132 : vector<8x1xf32> to vector<8x2048xf32>
    %mul3A_208 = arith.mulf %mul3A_207, %broadcast_in_dim3A_206 : vector<8x2048xf32>
    %jit3A_209 = arith.constant 0.000000e+00 : f32
    %broadcast_in_dim3A_210 = vector.broadcast %jit3A_209 : f32 to vector<8x2048xf32>
    %select_n3A_211 = arith.select %eq3A_61, %mul3A_208, %broadcast_in_dim3A_210 : vector<8x2048xi1>, vector<8x2048xf32>
    %reduce_sum3A_212 = arith.constant dense<0.000000e+00> : vector<2048xf32>
    %reduce_sum3A_213 = vector.multi_reduction <add>, %select_n3A_211, %reduce_sum3A_212 [0] : vector<8x2048xf32> to vector<2048xf32>
    %broadcast_in_dim3A_214 = vector.shape_cast %reduce_sum3A_213 : vector<2048xf32> to vector<1x2048xf32>
    %add3A_215 = arith.addf %broadcast_in_dim3A_204, %broadcast_in_dim3A_214 : vector<1x2048xf32>
    %eq3A_216 = arith.cmpi eq, %broadcast_in_dim3A_59, %broadcast_in_dim3A_14 : vector<1x2048xi32>
    %jit3A_217 = arith.constant 1.000000e+00 : f32
    %jit3A_218 = arith.constant 0.000000e+00 : f32
    %broadcast_in_dim3A_219 = vector.broadcast %jit3A_217 : f32 to vector<1x2048xf32>
    %broadcast_in_dim3A_220 = vector.broadcast %jit3A_218 : f32 to vector<1x2048xf32>
    %select_n3A_221 = arith.select %eq3A_216, %broadcast_in_dim3A_219, %broadcast_in_dim3A_220 : vector<1x2048xi1>, vector<1x2048xf32>
    %add3A_222 = arith.addf %add3A_215, %select_n3A_221 : vector<1x2048xf32>
    %eq3A_223 = arith.cmpi eq, %broadcast_in_dim3A_59, %broadcast_in_dim3A_30 : vector<1x2048xi32>
    %jit3A_224 = arith.constant 1.000000e+00 : f32
    %jit3A_225 = arith.constant 0.000000e+00 : f32
    %broadcast_in_dim3A_226 = vector.broadcast %jit3A_224 : f32 to vector<1x2048xf32>
    %broadcast_in_dim3A_227 = vector.broadcast %jit3A_225 : f32 to vector<1x2048xf32>
    %select_n3A_228 = arith.select %eq3A_223, %broadcast_in_dim3A_226, %broadcast_in_dim3A_227 : vector<1x2048xi1>, vector<1x2048xf32>
    %add3A_229 = arith.addf %add3A_222, %select_n3A_228 : vector<1x2048xf32>
    %concatenate3A_230 = tpu.concatenate %add3A_150, %add3A_167, %add3A_198, %add3A_229 in 0 : vector<1x2048xf32>, vector<1x2048xf32>, vector<1x2048xf32>, vector<1x2048xf32> -> vector<4x2048xf32>
    %convert_element_type3A_231 = arith.fptosi %concatenate3A_230 : vector<4x2048xf32> to vector<4x2048xi32>
    %swap3A_232 = arith.constant 0 : index
    %swap3A_233 = arith.constant 0 : index
    %swap3A_234 = vector.load %arg3[%swap3A_232, %swap3A_233] : memref<4x2048xi32, #tpu.memory_space<vmem>>, vector<4x2048xi32>
    tpu.vector_store %arg3[%swap3A_232, %swap3A_233], %convert_element_type3A_231 {strides = array<i32>} : memref<4x2048xi32, #tpu.memory_space<vmem>>, vector<4x2048xi32>,
    %iota3A_235 = tpu.iota {dimensions = array<i32: 1>} : vector<8x40xi32>
    %convert_element_type3A_236 = arith.sitofp %iota3A_235 : vector<8x40xi32> to vector<8x40xf32>
    %le3A = vector.broadcast %add3A_133 : vector<8x1xf32> to vector<8x40xf32>
    %le3A_237 = arith.cmpf ole, %le3A, %convert_element_type3A_236 : vector<8x40xf32>
    %jit3A_238 = arith.constant 1.000000e+00 : f32
    %jit3A_239 = arith.constant 0.000000e+00 : f32
    %broadcast_in_dim3A_240 = vector.broadcast %jit3A_238 : f32 to vector<8x40xf32>
    %broadcast_in_dim3A_241 = vector.broadcast %jit3A_239 : f32 to vector<8x40xf32>
    %select_n3A_242 = arith.select %le3A_237, %broadcast_in_dim3A_240, %broadcast_in_dim3A_241 : vector<8x40xi1>, vector<8x40xf32>
    %reduce_sum3A_243 = arith.constant dense<0.000000e+00> : vector<40xf32>
    %reduce_sum3A_244 = vector.multi_reduction <add>, %select_n3A_242, %reduce_sum3A_243 [0] : vector<8x40xf32> to vector<40xf32>
    %broadcast_in_dim3A_245 = vector.shape_cast %reduce_sum3A_244 : vector<40xf32> to vector<1x40xf32>
    %min3A = arith.constant 7.000000e+00 : f32
    %min3A_246 = vector.broadcast %min3A : f32 to vector<1x40xf32>
    %min3A_247 = arith.minimumf %broadcast_in_dim3A_245, %min3A_246 : vector<1x40xf32>
    %convert_element_type3A_248 = arith.fptosi %min3A_247 : vector<1x40xf32> to vector<1x40xi32>
    %swap3A_249 = arith.constant 0 : index
    %swap3A_250 = arith.constant 0 : index
    %swap3A_251 = vector.load %arg5[%swap3A_249, %swap3A_250] : memref<1x40xi32, #tpu.memory_space<vmem>>, vector<1x40xi32>
    tpu.vector_store %arg5[%swap3A_249, %swap3A_250], %convert_element_type3A_248 {strides = array<i32>} : memref<1x40xi32, #tpu.memory_space<vmem>>, vector<1x40xi32>,
    return
  }
}

module attributes {stable_mosaic.version = 14 : i64} {
  func.func @_ffn_body(%arg0: i32, %arg1: memref<40xi32, #tpu.memory_space<smem>>, %arg2: memref<2048x4xi32, #tpu.memory_space<vmem>>, %arg3: memref<2048x1024xbf16, #tpu.memory_space<vmem>>, %arg4: memref<1x1024x1024xf32, #tpu.memory_space<vmem>>, %arg5: memref<1x1x1024xf32, #tpu.memory_space<vmem>>, %arg6: memref<1x1x1024xf32, #tpu.memory_space<vmem>>, %arg7: memref<1x1x1024xf32, #tpu.memory_space<vmem>>, %arg8: memref<1x1024x1024xf32, #tpu.memory_space<vmem>>, %arg9: memref<1x1x1024xf32, #tpu.memory_space<vmem>>, %arg10: memref<1x1x1024xf32, #tpu.memory_space<vmem>>, %arg11: memref<1x1x1024xf32, #tpu.memory_space<vmem>>, %arg12: memref<256x1024xf32, #tpu.memory_space<vmem>>) attributes {dimension_semantics = [#tpu.dimension_semantics<arbitrary>], iteration_bounds = array<i64: 40>, scalar_prefetch = 1 : i64, scratch_operands = 0 : i64, tpu.core_type = #tpu.core_type<tc>, window_params = [{pipeline_mode = #tpu.pipeline_mode<synchronous>, transform_indices = @transform_0, window_bounds = array<i64: 2048, 4>}, {pipeline_mode = #tpu.pipeline_mode<synchronous>, transform_indices = @transform_1, window_bounds = array<i64: 2048, 1024>}, {transform_indices = @transform_2, window_bounds = array<i64: 1, 1024, 1024>}, {transform_indices = @transform_3, window_bounds = array<i64: 1, 1, 1024>}, {transform_indices = @transform_4, window_bounds = array<i64: 1, 1, 1024>}, {transform_indices = @transform_5, window_bounds = array<i64: 1, 1, 1024>}, {transform_indices = @transform_6, window_bounds = array<i64: 1, 1024, 1024>}, {transform_indices = @transform_7, window_bounds = array<i64: 1, 1, 1024>}, {transform_indices = @transform_8, window_bounds = array<i64: 1, 1, 1024>}, {transform_indices = @transform_9, window_bounds = array<i64: 1, 1, 1024>}, {transform_indices = @transform_10, window_bounds = array<i64: 256, 1024>}]} {
    %mul3A = arith.constant 256 : i32
    %mul3A_0 = arith.muli %arg0, %mul3A : i32
    %get3A = arith.constant 0 : index
    %get3A_1 = arith.constant 0 : index
    %get3A_2 = vector.load %arg2[%get3A, %get3A_1] : memref<2048x4xi32, #tpu.memory_space<vmem>>, vector<2048x4xi32>
    %sub3A = vector.broadcast %mul3A_0 : i32 to vector<2048x4xi32>
    %sub3A_3 = arith.subi %get3A_2, %sub3A : vector<2048x4xi32>
    %iota3A = tpu.iota {dimensions = array<i32: 1>} : vector<2048x256xi32>
    %slice3A = vector.extract_strided_slice %sub3A_3 {offsets = [0, 0], sizes = [2048, 1], strides = [1, 1]} : vector<2048x4xi32> to vector<2048x1xi32>
    %eq3A = vector.broadcast %slice3A : vector<2048x1xi32> to vector<2048x256xi32>
    %eq3A_4 = arith.cmpi eq, %eq3A, %iota3A : vector<2048x256xi32>
    %slice3A_5 = vector.extract_strided_slice %sub3A_3 {offsets = [0, 1], sizes = [2048, 1], strides = [1, 1]} : vector<2048x4xi32> to vector<2048x1xi32>
    %eq3A_6 = vector.broadcast %slice3A_5 : vector<2048x1xi32> to vector<2048x256xi32>
    %eq3A_7 = arith.cmpi eq, %eq3A_6, %iota3A : vector<2048x256xi32>
    %or3A = arith.ori %eq3A_4, %eq3A_7 : vector<2048x256xi1>
    %slice3A_8 = vector.extract_strided_slice %sub3A_3 {offsets = [0, 2], sizes = [2048, 1], strides = [1, 1]} : vector<2048x4xi32> to vector<2048x1xi32>
    %eq3A_9 = vector.broadcast %slice3A_8 : vector<2048x1xi32> to vector<2048x256xi32>
    %eq3A_10 = arith.cmpi eq, %eq3A_9, %iota3A : vector<2048x256xi32>
    %or3A_11 = arith.ori %or3A, %eq3A_10 : vector<2048x256xi1>
    %slice3A_12 = vector.extract_strided_slice %sub3A_3 {offsets = [0, 3], sizes = [2048, 1], strides = [1, 1]} : vector<2048x4xi32> to vector<2048x1xi32>
    %eq3A_13 = vector.broadcast %slice3A_12 : vector<2048x1xi32> to vector<2048x256xi32>
    %eq3A_14 = arith.cmpi eq, %eq3A_13, %iota3A : vector<2048x256xi32>
    %or3A_15 = arith.ori %or3A_11, %eq3A_14 : vector<2048x256xi1>
    %convert_element_type3A = arith.extui %or3A_15 : vector<2048x256xi1> to vector<2048x256xi32>
    %convert_element_type3A_16 = arith.sitofp %convert_element_type3A : vector<2048x256xi32> to vector<2048x256xf32>
    %convert_element_type3A_17 = arith.truncf %convert_element_type3A_16 : vector<2048x256xf32> to vector<2048x256xbf16>
    %get3A_18 = arith.constant 0 : index
    %get3A_19 = arith.constant 0 : index
    %get3A_20 = vector.load %arg3[%get3A_18, %get3A_19] : memref<2048x1024xbf16, #tpu.memory_space<vmem>>, vector<2048x1024xbf16>
    %dot_general3A = arith.constant dense<0.000000e+00> : vector<256x1024xf32>
    %dot_general3A_21 = tpu.matmul %convert_element_type3A_17, %get3A_20, %dot_general3A {dimension_numbers = #tpu.dot_dimension_numbers<[0], [0], [1], [1], [0, 1, 1, 1], [], []>, transpose_lhs_hint = false} : vector<2048x256xbf16>, vector<2048x1024xbf16>, vector<256x1024xf32> -> vector<256x1024xf32>
    %get3A_22 = arith.constant 0 : index
    %get3A_23 = arith.constant 0 : index
    %get3A_24 = arith.constant 0 : index
    %get3A_25 = vector.load %arg4[%get3A_22, %get3A_23, %get3A_24] : memref<1x1024x1024xf32, #tpu.memory_space<vmem>>, vector<1x1024x1024xf32>
    %get3A_26 = vector.shape_cast %get3A_25 : vector<1x1024x1024xf32> to vector<1024x1024xf32>
    %dot_general3A_27 = arith.constant dense<0.000000e+00> : vector<256x1024xf32>
    %dot_general3A_28 = tpu.matmul %dot_general3A_21, %get3A_26, %dot_general3A_27 {dimension_numbers = #tpu.dot_dimension_numbers<[1], [1], [0], [0], [0, 0, 1, 0], [], []>, transpose_lhs_hint = false} : vector<256x1024xf32>, vector<1024x1024xf32>, vector<256x1024xf32> -> vector<256x1024xf32>
    %get3A_29 = arith.constant 0 : index
    %get3A_30 = arith.constant 0 : index
    %get3A_31 = arith.constant 0 : index
    %get3A_32 = vector.load %arg5[%get3A_29, %get3A_30, %get3A_31] : memref<1x1x1024xf32, #tpu.memory_space<vmem>>, vector<1x1x1024xf32>
    %get3A_33 = vector.shape_cast %get3A_32 : vector<1x1x1024xf32> to vector<1x1024xf32>
    %add3A = vector.broadcast %get3A_33 : vector<1x1024xf32> to vector<256x1024xf32>
    %add3A_34 = arith.addf %dot_general3A_28, %add3A : vector<256x1024xf32>
    %get3A_35 = arith.constant 0 : index
    %get3A_36 = arith.constant 0 : index
    %get3A_37 = arith.constant 0 : index
    %get3A_38 = vector.load %arg6[%get3A_35, %get3A_36, %get3A_37] : memref<1x1x1024xf32, #tpu.memory_space<vmem>>, vector<1x1x1024xf32>
    %get3A_39 = vector.shape_cast %get3A_38 : vector<1x1x1024xf32> to vector<1x1024xf32>
    %get3A_40 = arith.constant 0 : index
    %get3A_41 = arith.constant 0 : index
    %get3A_42 = arith.constant 0 : index
    %get3A_43 = vector.load %arg7[%get3A_40, %get3A_41, %get3A_42] : memref<1x1x1024xf32, #tpu.memory_space<vmem>>, vector<1x1x1024xf32>
    %get3A_44 = vector.shape_cast %get3A_43 : vector<1x1x1024xf32> to vector<1x1024xf32>
    %reduce_sum3A = arith.constant dense<0.000000e+00> : vector<256xf32>
    %reduce_sum3A_45 = vector.multi_reduction <add>, %add3A_34, %reduce_sum3A [1] : vector<256x1024xf32> to vector<256xf32>
    %broadcast_in_dim3A = vector.shape_cast %reduce_sum3A_45 : vector<256xf32> to vector<256x1xf32>
    %div3A = arith.constant 1.024000e+03 : f32
    %div3A_46 = vector.broadcast %div3A : f32 to vector<256x1xf32>
    %div3A_47 = arith.divf %broadcast_in_dim3A, %div3A_46 : vector<256x1xf32>
    %sub3A_48 = vector.broadcast %div3A_47 : vector<256x1xf32> to vector<256x1024xf32>
    %sub3A_49 = arith.subf %add3A_34, %sub3A_48 : vector<256x1024xf32>
    %integer_pow3A = arith.mulf %sub3A_49, %sub3A_49 : vector<256x1024xf32>
    %reduce_sum3A_50 = arith.constant dense<0.000000e+00> : vector<256xf32>
    %reduce_sum3A_51 = vector.multi_reduction <add>, %integer_pow3A, %reduce_sum3A_50 [1] : vector<256x1024xf32> to vector<256xf32>
    %broadcast_in_dim3A_52 = vector.shape_cast %reduce_sum3A_51 : vector<256xf32> to vector<256x1xf32>
    %div3A_53 = arith.constant 1.024000e+03 : f32
    %div3A_54 = vector.broadcast %div3A_53 : f32 to vector<256x1xf32>
    %div3A_55 = arith.divf %broadcast_in_dim3A_52, %div3A_54 : vector<256x1xf32>
    %sub3A_56 = vector.broadcast %div3A_47 : vector<256x1xf32> to vector<256x1024xf32>
    %sub3A_57 = arith.subf %add3A_34, %sub3A_56 : vector<256x1024xf32>
    %add3A_58 = arith.constant 9.99999974E-6 : f32
    %add3A_59 = vector.broadcast %add3A_58 : f32 to vector<256x1xf32>
    %add3A_60 = arith.addf %div3A_55, %add3A_59 : vector<256x1xf32>
    %rsqrt3A = math.rsqrt %add3A_60 : vector<256x1xf32>
    %mul3A_61 = vector.broadcast %rsqrt3A : vector<256x1xf32> to vector<256x1024xf32>
    %mul3A_62 = arith.mulf %sub3A_57, %mul3A_61 : vector<256x1024xf32>
    %mul3A_63 = vector.broadcast %get3A_39 : vector<1x1024xf32> to vector<256x1024xf32>
    %mul3A_64 = arith.mulf %mul3A_62, %mul3A_63 : vector<256x1024xf32>
    %add3A_65 = vector.broadcast %get3A_44 : vector<1x1024xf32> to vector<256x1024xf32>
    %add3A_66 = arith.addf %mul3A_64, %add3A_65 : vector<256x1024xf32>
    %max3A = arith.constant 0.000000e+00 : f32
    %max3A_67 = vector.broadcast %max3A : f32 to vector<256x1024xf32>
    %max3A_68 = arith.maximumf %add3A_66, %max3A_67 : vector<256x1024xf32>
    %get3A_69 = arith.constant 0 : index
    %get3A_70 = arith.constant 0 : index
    %get3A_71 = arith.constant 0 : index
    %get3A_72 = vector.load %arg8[%get3A_69, %get3A_70, %get3A_71] : memref<1x1024x1024xf32, #tpu.memory_space<vmem>>, vector<1x1024x1024xf32>
    %get3A_73 = vector.shape_cast %get3A_72 : vector<1x1024x1024xf32> to vector<1024x1024xf32>
    %dot_general3A_74 = arith.constant dense<0.000000e+00> : vector<256x1024xf32>
    %dot_general3A_75 = tpu.matmul %max3A_68, %get3A_73, %dot_general3A_74 {dimension_numbers = #tpu.dot_dimension_numbers<[1], [1], [0], [0], [0, 0, 1, 0], [], []>, transpose_lhs_hint = false} : vector<256x1024xf32>, vector<1024x1024xf32>, vector<256x1024xf32> -> vector<256x1024xf32>
    %get3A_76 = arith.constant 0 : index
    %get3A_77 = arith.constant 0 : index
    %get3A_78 = arith.constant 0 : index
    %get3A_79 = vector.load %arg9[%get3A_76, %get3A_77, %get3A_78] : memref<1x1x1024xf32, #tpu.memory_space<vmem>>, vector<1x1x1024xf32>
    %get3A_80 = vector.shape_cast %get3A_79 : vector<1x1x1024xf32> to vector<1x1024xf32>
    %add3A_81 = vector.broadcast %get3A_80 : vector<1x1024xf32> to vector<256x1024xf32>
    %add3A_82 = arith.addf %dot_general3A_75, %add3A_81 : vector<256x1024xf32>
    %get3A_83 = arith.constant 0 : index
    %get3A_84 = arith.constant 0 : index
    %get3A_85 = arith.constant 0 : index
    %get3A_86 = vector.load %arg10[%get3A_83, %get3A_84, %get3A_85] : memref<1x1x1024xf32, #tpu.memory_space<vmem>>, vector<1x1x1024xf32>
    %get3A_87 = vector.shape_cast %get3A_86 : vector<1x1x1024xf32> to vector<1x1024xf32>
    %get3A_88 = arith.constant 0 : index
    %get3A_89 = arith.constant 0 : index
    %get3A_90 = arith.constant 0 : index
    %get3A_91 = vector.load %arg11[%get3A_88, %get3A_89, %get3A_90] : memref<1x1x1024xf32, #tpu.memory_space<vmem>>, vector<1x1x1024xf32>
    %get3A_92 = vector.shape_cast %get3A_91 : vector<1x1x1024xf32> to vector<1x1024xf32>
    %reduce_sum3A_93 = arith.constant dense<0.000000e+00> : vector<256xf32>
    %reduce_sum3A_94 = vector.multi_reduction <add>, %add3A_82, %reduce_sum3A_93 [1] : vector<256x1024xf32> to vector<256xf32>
    %broadcast_in_dim3A_95 = vector.shape_cast %reduce_sum3A_94 : vector<256xf32> to vector<256x1xf32>
    %div3A_96 = arith.constant 1.024000e+03 : f32
    %div3A_97 = vector.broadcast %div3A_96 : f32 to vector<256x1xf32>
    %div3A_98 = arith.divf %broadcast_in_dim3A_95, %div3A_97 : vector<256x1xf32>
    %sub3A_99 = vector.broadcast %div3A_98 : vector<256x1xf32> to vector<256x1024xf32>
    %sub3A_100 = arith.subf %add3A_82, %sub3A_99 : vector<256x1024xf32>
    %integer_pow3A_101 = arith.mulf %sub3A_100, %sub3A_100 : vector<256x1024xf32>
    %reduce_sum3A_102 = arith.constant dense<0.000000e+00> : vector<256xf32>
    %reduce_sum3A_103 = vector.multi_reduction <add>, %integer_pow3A_101, %reduce_sum3A_102 [1] : vector<256x1024xf32> to vector<256xf32>
    %broadcast_in_dim3A_104 = vector.shape_cast %reduce_sum3A_103 : vector<256xf32> to vector<256x1xf32>
    %div3A_105 = arith.constant 1.024000e+03 : f32
    %div3A_106 = vector.broadcast %div3A_105 : f32 to vector<256x1xf32>
    %div3A_107 = arith.divf %broadcast_in_dim3A_104, %div3A_106 : vector<256x1xf32>
    %sub3A_108 = vector.broadcast %div3A_98 : vector<256x1xf32> to vector<256x1024xf32>
    %sub3A_109 = arith.subf %add3A_82, %sub3A_108 : vector<256x1024xf32>
    %add3A_110 = arith.constant 9.99999974E-6 : f32
    %add3A_111 = vector.broadcast %add3A_110 : f32 to vector<256x1xf32>
    %add3A_112 = arith.addf %div3A_107, %add3A_111 : vector<256x1xf32>
    %rsqrt3A_113 = math.rsqrt %add3A_112 : vector<256x1xf32>
    %mul3A_114 = vector.broadcast %rsqrt3A_113 : vector<256x1xf32> to vector<256x1024xf32>
    %mul3A_115 = arith.mulf %sub3A_109, %mul3A_114 : vector<256x1024xf32>
    %mul3A_116 = vector.broadcast %get3A_87 : vector<1x1024xf32> to vector<256x1024xf32>
    %mul3A_117 = arith.mulf %mul3A_115, %mul3A_116 : vector<256x1024xf32>
    %add3A_118 = vector.broadcast %get3A_92 : vector<1x1024xf32> to vector<256x1024xf32>
    %add3A_119 = arith.addf %mul3A_117, %add3A_118 : vector<256x1024xf32>
    %swap3A = arith.constant 0 : index
    %swap3A_120 = arith.constant 0 : index
    %swap3A_121 = vector.load %arg12[%swap3A, %swap3A_120] : memref<256x1024xf32, #tpu.memory_space<vmem>>, vector<256x1024xf32>
    tpu.vector_store %arg12[%swap3A, %swap3A_120], %add3A_119 {strides = array<i32>} : memref<256x1024xf32, #tpu.memory_space<vmem>>, vector<256x1024xf32>,
    return
  }
  func.func @transform_0(%arg0: i32, %arg1: memref<40xi32, #tpu.memory_space<smem>>) -> (i32, i32) {
    %c0_i32 = arith.constant 0 : i32
    %c0_i32_0 = arith.constant 0 : i32
    %c0_i32_1 = arith.constant 0 : i32
    return %c0_i32, %c0_i32_0 : i32, i32
  }
  func.func @transform_1(%arg0: i32, %arg1: memref<40xi32, #tpu.memory_space<smem>>) -> (i32, i32) {
    %c0_i32 = arith.constant 0 : i32
    %c0_i32_0 = arith.constant 0 : i32
    %c0_i32_1 = arith.constant 0 : i32
    return %c0_i32, %c0_i32_0 : i32, i32
  }
  func.func @transform_2(%arg0: i32, %arg1: memref<40xi32, #tpu.memory_space<smem>>) -> (i32, i32, i32) {
    %get3A = arith.index_cast %arg0 : i32 to index
    %get3A_0 = memref.load %arg1[%get3A] : memref<40xi32, #tpu.memory_space<smem>>
    %c0_i32 = arith.constant 0 : i32
    %c0_i32_1 = arith.constant 0 : i32
    %c0_i32_2 = arith.constant 0 : i32
    return %get3A_0, %c0_i32, %c0_i32_1 : i32, i32, i32
  }
  func.func @transform_3(%arg0: i32, %arg1: memref<40xi32, #tpu.memory_space<smem>>) -> (i32, i32, i32) {
    %get3A = arith.index_cast %arg0 : i32 to index
    %get3A_0 = memref.load %arg1[%get3A] : memref<40xi32, #tpu.memory_space<smem>>
    %c0_i32 = arith.constant 0 : i32
    %c0_i32_1 = arith.constant 0 : i32
    %c0_i32_2 = arith.constant 0 : i32
    return %get3A_0, %c0_i32, %c0_i32_1 : i32, i32, i32
  }
  func.func @transform_4(%arg0: i32, %arg1: memref<40xi32, #tpu.memory_space<smem>>) -> (i32, i32, i32) {
    %get3A = arith.index_cast %arg0 : i32 to index
    %get3A_0 = memref.load %arg1[%get3A] : memref<40xi32, #tpu.memory_space<smem>>
    %c0_i32 = arith.constant 0 : i32
    %c0_i32_1 = arith.constant 0 : i32
    %c0_i32_2 = arith.constant 0 : i32
    return %get3A_0, %c0_i32, %c0_i32_1 : i32, i32, i32
  }
  func.func @transform_5(%arg0: i32, %arg1: memref<40xi32, #tpu.memory_space<smem>>) -> (i32, i32, i32) {
    %get3A = arith.index_cast %arg0 : i32 to index
    %get3A_0 = memref.load %arg1[%get3A] : memref<40xi32, #tpu.memory_space<smem>>
    %c0_i32 = arith.constant 0 : i32
    %c0_i32_1 = arith.constant 0 : i32
    %c0_i32_2 = arith.constant 0 : i32
    return %get3A_0, %c0_i32, %c0_i32_1 : i32, i32, i32
  }
  func.func @transform_6(%arg0: i32, %arg1: memref<40xi32, #tpu.memory_space<smem>>) -> (i32, i32, i32) {
    %get3A = arith.index_cast %arg0 : i32 to index
    %get3A_0 = memref.load %arg1[%get3A] : memref<40xi32, #tpu.memory_space<smem>>
    %c0_i32 = arith.constant 0 : i32
    %c0_i32_1 = arith.constant 0 : i32
    %c0_i32_2 = arith.constant 0 : i32
    return %get3A_0, %c0_i32, %c0_i32_1 : i32, i32, i32
  }
  func.func @transform_7(%arg0: i32, %arg1: memref<40xi32, #tpu.memory_space<smem>>) -> (i32, i32, i32) {
    %get3A = arith.index_cast %arg0 : i32 to index
    %get3A_0 = memref.load %arg1[%get3A] : memref<40xi32, #tpu.memory_space<smem>>
    %c0_i32 = arith.constant 0 : i32
    %c0_i32_1 = arith.constant 0 : i32
    %c0_i32_2 = arith.constant 0 : i32
    return %get3A_0, %c0_i32, %c0_i32_1 : i32, i32, i32
  }
  func.func @transform_8(%arg0: i32, %arg1: memref<40xi32, #tpu.memory_space<smem>>) -> (i32, i32, i32) {
    %get3A = arith.index_cast %arg0 : i32 to index
    %get3A_0 = memref.load %arg1[%get3A] : memref<40xi32, #tpu.memory_space<smem>>
    %c0_i32 = arith.constant 0 : i32
    %c0_i32_1 = arith.constant 0 : i32
    %c0_i32_2 = arith.constant 0 : i32
    return %get3A_0, %c0_i32, %c0_i32_1 : i32, i32, i32
  }
  func.func @transform_9(%arg0: i32, %arg1: memref<40xi32, #tpu.memory_space<smem>>) -> (i32, i32, i32) {
    %get3A = arith.index_cast %arg0 : i32 to index
    %get3A_0 = memref.load %arg1[%get3A] : memref<40xi32, #tpu.memory_space<smem>>
    %c0_i32 = arith.constant 0 : i32
    %c0_i32_1 = arith.constant 0 : i32
    %c0_i32_2 = arith.constant 0 : i32
    return %get3A_0, %c0_i32, %c0_i32_1 : i32, i32, i32
  }
  func.func @transform_10(%arg0: i32, %arg1: memref<40xi32, #tpu.memory_space<smem>>) -> (i32, i32) {
    %c0_i32 = arith.constant 0 : i32
    %c0_i32_0 = arith.constant 0 : i32
    return %arg0, %c0_i32 : i32, i32
  }
}

module attributes {stable_mosaic.version = 14 : i64} {
  func.func @_epi_body(%arg0: i32, %arg1: memref<4x512x1024xf32, #tpu.memory_space<vmem>>, %arg2: memref<512x4xf32, #tpu.memory_space<vmem>>, %arg3: memref<512x1024xf32, #tpu.memory_space<vmem>>, %arg4: memref<512x1024xf32, #tpu.memory_space<vmem>>, %arg5: memref<512x1024xf32, #tpu.memory_space<vmem>>, %arg6: memref<512x1024xf32, #tpu.memory_space<vmem>>, %arg7: memref<8x128xf32, #tpu.memory_space<vmem>>) attributes {dimension_semantics = [#tpu.dimension_semantics<arbitrary>], iteration_bounds = array<i64: 4>, scalar_prefetch = 0 : i64, scratch_operands = 0 : i64, tpu.core_type = #tpu.core_type<tc>, window_params = [{transform_indices = @transform_0, window_bounds = array<i64: 4, 512, 1024>}, {transform_indices = @transform_1, window_bounds = array<i64: 512, 4>}, {transform_indices = @transform_2, window_bounds = array<i64: 512, 1024>}, {transform_indices = @transform_3, window_bounds = array<i64: 512, 1024>}, {transform_indices = @transform_4, window_bounds = array<i64: 512, 1024>}, {transform_indices = @transform_5, window_bounds = array<i64: 512, 1024>}, {transform_indices = @transform_6, window_bounds = array<i64: 8, 128>}]} {
    %get3A = arith.constant 0 : index
    %get3A_0 = arith.constant 0 : index
    %get3A_1 = vector.load %arg2[%get3A, %get3A_0] : memref<512x4xf32, #tpu.memory_space<vmem>>, vector<512x4xf32>
    %slice3A = vector.extract_strided_slice %get3A_1 {offsets = [0, 0], sizes = [512, 1], strides = [1, 1]} : vector<512x4xf32> to vector<512x1xf32>
    %get3A_2 = arith.constant 0 : index
    %get3A_3 = arith.constant 0 : index
    %get3A_4 = arith.constant 0 : index
    %get3A_5 = vector.load %arg1[%get3A_2, %get3A_3, %get3A_4] : memref<4x512x1024xf32, #tpu.memory_space<vmem>>, vector<1x512x1024xf32>
    %get3A_6 = vector.shape_cast %get3A_5 : vector<1x512x1024xf32> to vector<512x1024xf32>
    %mul3A = vector.broadcast %slice3A : vector<512x1xf32> to vector<512x1024xf32>
    %mul3A_7 = arith.mulf %mul3A, %get3A_6 : vector<512x1024xf32>
    %slice3A_8 = vector.extract_strided_slice %get3A_1 {offsets = [0, 1], sizes = [512, 1], strides = [1, 1]} : vector<512x4xf32> to vector<512x1xf32>
    %get3A_9 = arith.constant 1 : index
    %get3A_10 = arith.constant 0 : index
    %get3A_11 = arith.constant 0 : index
    %get3A_12 = vector.load %arg1[%get3A_9, %get3A_10, %get3A_11] : memref<4x512x1024xf32, #tpu.memory_space<vmem>>, vector<1x512x1024xf32>
    %get3A_13 = vector.shape_cast %get3A_12 : vector<1x512x1024xf32> to vector<512x1024xf32>
    %mul3A_14 = vector.broadcast %slice3A_8 : vector<512x1xf32> to vector<512x1024xf32>
    %mul3A_15 = arith.mulf %mul3A_14, %get3A_13 : vector<512x1024xf32>
    %add3A = arith.addf %mul3A_7, %mul3A_15 : vector<512x1024xf32>
    %slice3A_16 = vector.extract_strided_slice %get3A_1 {offsets = [0, 2], sizes = [512, 1], strides = [1, 1]} : vector<512x4xf32> to vector<512x1xf32>
    %get3A_17 = arith.constant 2 : index
    %get3A_18 = arith.constant 0 : index
    %get3A_19 = arith.constant 0 : index
    %get3A_20 = vector.load %arg1[%get3A_17, %get3A_18, %get3A_19] : memref<4x512x1024xf32, #tpu.memory_space<vmem>>, vector<1x512x1024xf32>
    %get3A_21 = vector.shape_cast %get3A_20 : vector<1x512x1024xf32> to vector<512x1024xf32>
    %mul3A_22 = vector.broadcast %slice3A_16 : vector<512x1xf32> to vector<512x1024xf32>
    %mul3A_23 = arith.mulf %mul3A_22, %get3A_21 : vector<512x1024xf32>
    %slice3A_24 = vector.extract_strided_slice %get3A_1 {offsets = [0, 3], sizes = [512, 1], strides = [1, 1]} : vector<512x4xf32> to vector<512x1xf32>
    %get3A_25 = arith.constant 3 : index
    %get3A_26 = arith.constant 0 : index
    %get3A_27 = arith.constant 0 : index
    %get3A_28 = vector.load %arg1[%get3A_25, %get3A_26, %get3A_27] : memref<4x512x1024xf32, #tpu.memory_space<vmem>>, vector<1x512x1024xf32>
    %get3A_29 = vector.shape_cast %get3A_28 : vector<1x512x1024xf32> to vector<512x1024xf32>
    %mul3A_30 = vector.broadcast %slice3A_24 : vector<512x1xf32> to vector<512x1024xf32>
    %mul3A_31 = arith.mulf %mul3A_30, %get3A_29 : vector<512x1024xf32>
    %add3A_32 = arith.addf %mul3A_23, %mul3A_31 : vector<512x1024xf32>
    %get3A_33 = arith.constant 0 : index
    %get3A_34 = arith.constant 0 : index
    %get3A_35 = vector.load %arg3[%get3A_33, %get3A_34] : memref<512x1024xf32, #tpu.memory_space<vmem>>, vector<512x1024xf32>
    %add3A_36 = arith.addf %add3A, %get3A_35 : vector<512x1024xf32>
    %swap3A = arith.constant 0 : index
    %swap3A_37 = arith.constant 0 : index
    %swap3A_38 = vector.load %arg4[%swap3A, %swap3A_37] : memref<512x1024xf32, #tpu.memory_space<vmem>>, vector<512x1024xf32>
    tpu.vector_store %arg4[%swap3A, %swap3A_37], %add3A_36 {strides = array<i32>} : memref<512x1024xf32, #tpu.memory_space<vmem>>, vector<512x1024xf32>,
    %swap3A_39 = arith.constant 0 : index
    %swap3A_40 = arith.constant 0 : index
    %swap3A_41 = vector.load %arg5[%swap3A_39, %swap3A_40] : memref<512x1024xf32, #tpu.memory_space<vmem>>, vector<512x1024xf32>
    tpu.vector_store %arg5[%swap3A_39, %swap3A_40], %add3A {strides = array<i32>} : memref<512x1024xf32, #tpu.memory_space<vmem>>, vector<512x1024xf32>,
    %swap3A_42 = arith.constant 0 : index
    %swap3A_43 = arith.constant 0 : index
    %swap3A_44 = vector.load %arg6[%swap3A_42, %swap3A_43] : memref<512x1024xf32, #tpu.memory_space<vmem>>, vector<512x1024xf32>
    tpu.vector_store %arg6[%swap3A_42, %swap3A_43], %add3A_32 {strides = array<i32>} : memref<512x1024xf32, #tpu.memory_space<vmem>>, vector<512x1024xf32>,
    %sub3A = arith.subf %add3A, %add3A_32 : vector<512x1024xf32>
    %mul3A_45 = arith.mulf %sub3A, %sub3A : vector<512x1024xf32>
    %reduce_sum3A = vector.shape_cast %mul3A_45 : vector<512x1024xf32> to vector<1x512x1024xf32>
    %reduce_sum3A_46 = arith.constant dense<0.000000e+00> : vector<1xf32>
    %reduce_sum3A_47 = vector.multi_reduction <add>, %reduce_sum3A, %reduce_sum3A_46 [1, 2] : vector<1x512x1024xf32> to vector<1xf32>
    %reduce_sum3A_48 = vector.shape_cast %reduce_sum3A_47 : vector<1xf32> to vector<1x1x1xf32>
    %reduce_sum3A_49 = vector.extract %reduce_sum3A_48[0, 0, 0] : f32 from vector<1x1x1xf32>
    %broadcast_in_dim3A = vector.broadcast %reduce_sum3A_49 : f32 to vector<8x128xf32>
    %swap3A_50 = arith.constant 0 : index
    %swap3A_51 = arith.constant 0 : index
    %swap3A_52 = vector.load %arg7[%swap3A_50, %swap3A_51] : memref<8x128xf32, #tpu.memory_space<vmem>>, vector<8x128xf32>
    tpu.vector_store %arg7[%swap3A_50, %swap3A_51], %broadcast_in_dim3A {strides = array<i32>} : memref<8x128xf32, #tpu.memory_space<vmem>>, vector<8x128xf32>,
    return
  }
  func.func @transform_0(%arg0: i32) -> (i32, i32, i32) {
    %c0_i32 = arith.constant 0 : i32
    %c0_i32_0 = arith.constant 0 : i32
    %c0_i32_1 = arith.constant 0 : i32
    return %c0_i32, %arg0, %c0_i32_0 : i32, i32, i32
  }
  func.func @transform_1(%arg0: i32) -> (i32, i32) {
    %c0_i32 = arith.constant 0 : i32
    %c0_i32_0 = arith.constant 0 : i32
    return %arg0, %c0_i32 : i32, i32
  }
  func.func @transform_2(%arg0: i32) -> (i32, i32) {
    %c0_i32 = arith.constant 0 : i32
    %c0_i32_0 = arith.constant 0 : i32
    return %arg0, %c0_i32 : i32, i32
  }
  func.func @transform_3(%arg0: i32) -> (i32, i32) {
    %c0_i32 = arith.constant 0 : i32
    %c0_i32_0 = arith.constant 0 : i32
    return %arg0, %c0_i32 : i32, i32
  }
  func.func @transform_4(%arg0: i32) -> (i32, i32) {
    %c0_i32 = arith.constant 0 : i32
    %c0_i32_0 = arith.constant 0 : i32
    return %arg0, %c0_i32 : i32, i32
  }
  func.func @transform_5(%arg0: i32) -> (i32, i32) {
    %c0_i32 = arith.constant 0 : i32
    %c0_i32_0 = arith.constant 0 : i32
    return %arg0, %c0_i32 : i32, i32
  }
  func.func @transform_6(%arg0: i32) -> (i32, i32) {
    %c0_i32 = arith.constant 0 : i32
    %c0_i32_0 = arith.constant 0 : i32
    return %arg0, %c0_i32 : i32, i32
  }
}

</mosaic_0001>

<sc_bundles>
// kernel: kernel.6.cloned.1.call-start
scs
__scs_entry_jumppad:
0x0: {  	(pc) =	sbr.rel $0x88, $3  }
0x1: {  	(tag) =	ssettag $0x0;
	lr =	simm.s32 $0x1  }
0x2: {  	[smem:$0x3F96] =	sst lr;
	_ =	strace $0xD0000000  }
0x3: {  	_ = 	snop  }
0x4: {  	_ = 	snop  }
0x5: {  	_ = 	snop  }
0x6: {  	_ = 	snop  }
0x7: {  	_ = 	snop  }
__scs_overlays_trampoline_lowered:
0x8: {  	[smem:$0x3FA5] =	sst s0  }
0x9: {  	[smem:$0x3FA6] =	sst s1  }
0xa: {  	[smem:$0x3FA7] =	sst s2  }
0xb: {  	[smem:$0x3FA8] =	sst s3  }
0xc: {  	[smem:$0x3FA9] =	sst s4  }
0xd: {  	[smem:$0x3FAA] =	sst s5  }
0xe: {  	[smem:$0x3FAB] =	sst s6  }
0xf: {  	[smem:$0x3FAC] =	sst s7  }
0x10: {  	[smem:$0x3FAD] =	sst s8  }
0x11: {  	[smem:$0x3FAE] =	sst s9;
	s0 =	simm.s32 @!p0 $0x0  }
0x12: {  	s1 =	sld [smem:$0x3F94];
	s0 =	simm.s32 @p0 $0x1  }
0x13: {  	[smem:$0x3FAF] =	sst s0;
	s0 =	simm.s32 @!p1 $0x0  }
0x14: {  	s2 =	sld [smem:$0x3F93];
	s0 =	simm.s32 @p1 $0x1  }
0x15: {  	[smem:$0x3FB0] =	sst s0;
	s0 =	simm.s32 @!p2 $0x0  }
0x16: {  	s3 =	sld [smem:$0x3FDB];
	s0 =	simm.s32 @p2 $0x1  }
0x17: {  	s4 =	simm.s32 $0x1BF5;
	[smem:$0x3FB2] =	sst s0  }
0x18: {  	s0 =	sld [smem:$0x3F95];
	_ =	swait.ge [sflag:s4], $0x0  }
0x19: {  	s7 =	sld [smem:$0x3F96]  }
0x1a: {  	s8 =	sadd.s32 $0xFFFFE003, lr  }
0x1b: {  	s9 =	sadd.s32 $0xFFFFFEF7, lr;
	s5 =	simm.s32 $0xFFFFFFFF;
	p2 =	slt.u32 s8, $0xFFFFF086  }
0x1c: {  	p1 =	slt.u32 s9, $0xF7A;
	s5 =	simm.s32 @!p2 $0x0  }
0x1d: {  	s5 =	simm.s32 @p1 $0x1;
	p0 =	seq.s32 s7, s2  }
0x1e: {  	s7 =	smul.u32 @!p0 $0xF7A, s2;
	p2 =	seq.s32 @!p0 s5, $0x0  }
0x1f: {  	s9 =	smul.u32 $0xF7A, s1;
	s8 =	simm.s32 @!p0 $0x1BF5;
	p2 =	por !p2, p0  }
0x20: {  	[sflag:s8] =	ssyncset.s32 @!p0 $0xFFFFF086;
	s6 =	sadd.s32 @!p0 s3, s7;
	s7 =	simm.s32 @!p0 $0x108  }
0x21: {  	s3 =	sadd.s32 s3, s9;
	s6 =	sadd.s32 @!p0 $0x88, s6;
	s7 =	simm.s32 @p2 $0x1082  }
0x22: {  	[simem:s7], [sflag:s8] =	dma.local @!p0 [hbm:s6], $0xF7A  }
0x23: {  	s9 =	sor.u32 $0xD0000000, s2;
	s6 =	simm.s32 $0x108;
	_ =	swait.ge @!p0 [sflag:s8], $0x0  }
0x24: {  	s3 =	sadd.s32 $0x88, s3;
	s6 =	simm.s32 @!p1 $0x1082;
	[sflag:s4] =	ssyncset.s32 $0xFFFFF086  }
0x25: {  	[simem:s6], [sflag:s4] =	dma.local [hbm:s3], $0xF7A  }
0x26: {  	[smem:$0x3F96] =	sst s1;
	(tag) =	ssettag s2;
	_ =	strace s9  }
0x27: {  	s1 =	sld [smem:$0x3FA6]  }
0x28: {  	s2 =	sld [smem:$0x3FA7]  }
0x29: {  	s4 =	sld [smem:$0x3FA9]  }
0x2a: {  	p0 =	seq.s32 s5, $0x0;
	s5 =	sld [smem:$0x3FAA]  }
0x2b: {  	s6 =	sld [smem:$0x3FAB]  }
0x2c: {  	s7 =	sld [smem:$0x3FAC]  }
0x2d: {  	s3 =	simm.s32 $0x108;
	s8 =	sld [smem:$0x3FAD]  }
0x2e: {  	s3 =	simm.s32 @!p0 $0x1082;
	s9 =	sld [smem:$0x3FAE]  }
0x2f: {  	lr =	sadd.s32 s0, s3;
	s0 =	sld [smem:$0x3FA5]  }
0x30: {  	s3 =	sld [smem:$0x3FA8]  }
0x31: {  	[smem:$0x3FB1] =	sst s10  }
0x32: {  	s10 =	sld [smem:$0x3FAF];
	_ =	sdelay $0x3  }
0x33: {  	p0 =	seq.s32 s10, $0x1;
	s10 =	sld [smem:$0x3FB1];
	_ =	sdelay $0x3  }
0x34: {  	[smem:$0x3FB1] =	sst s10  }
0x35: {  	s10 =	sld [smem:$0x3FB0];
	_ =	sdelay $0x3  }
0x36: {  	p1 =	seq.s32 s10, $0x1;
	s10 =	sld [smem:$0x3FB1];
	_ =	sdelay $0x3  }
0x37: {  	[smem:$0x3FB1] =	sst s10  }
0x38: {  	s10 =	sld [smem:$0x3FB2]  }
0x39: {  	_ = 	snop;
	(pc) =	sbr.ind lr, $3  }
0x3a: {  	_ = 	snop  }
0x3b: {  	_ = 	snop  }
0x3c: {  	p2 =	seq.s32 s10, $0x1;
	s10 =	sld [smem:$0x3FB1]  }
0x3d: {  	_ =	shalt  }
0x3e: {  	_ =	shalt  }
0x3f: {  	_ =	shalt  }
0x40: {  	_ =	shalt  }
0x41: {  	_ =	shalt  }
0x42: {  	_ =	shalt  }
0x43: {  	_ =	shalt  }
0x44: {  	_ =	shalt  }
0x45: {  	_ =	shalt  }
0x46: {  	_ =	shalt  }
0x47: {  	_ =	shalt  }
0x48: {  	_ =	shalt  }
0x49: {  	_ =	shalt  }
0x4a: {  	_ =	shalt  }
0x4b: {  	_ =	shalt  }
0x4c: {  	_ =	shalt  }
0x4d: {  	_ =	shalt  }
0x4e: {  	_ =	shalt  }
0x4f: {  	_ =	shalt  }
0x50: {  	_ =	shalt  }
0x51: {  	_ =	shalt  }
0x52: {  	_ =	shalt  }
0x53: {  	_ =	shalt  }
0x54: {  	_ =	shalt  }
0x55: {  	_ =	shalt  }
0x56: {  	_ =	shalt  }
0x57: {  	_ =	shalt  }
0x58: {  	_ =	shalt  }
0x59: {  	_ =	shalt  }
0x5a: {  	_ =	shalt  }
0x5b: {  	_ =	shalt  }
0x5c: {  	_ =	shalt  }
0x5d: {  	_ =	shalt  }
0x5e: {  	_ =	shalt  }
0x5f: {  	_ =	shalt  }
0x60: {  	_ =	shalt  }
0x61: {  	_ =	shalt  }
0x62: {  	_ =	shalt  }
0x63: {  	_ =	shalt  }
0x64: {  	_ =	shalt  }
0x65: {  	_ =	shalt  }
0x66: {  	_ =	shalt  }
0x67: {  	_ =	shalt  }
0x68: {  	_ =	shalt  }
0x69: {  	_ =	shalt  }
0x6a: {  	_ =	shalt  }
0x6b: {  	_ =	shalt  }
0x6c: {  	_ =	shalt  }
0x6d: {  	_ =	shalt  }
0x6e: {  	_ =	shalt  }
0x6f: {  	_ =	shalt  }
0x70: {  	_ =	shalt  }
0x71: {  	_ =	shalt  }
0x72: {  	_ =	shalt  }
0x73: {  	_ =	shalt  }
0x74: {  	_ =	shalt  }
0x75: {  	_ =	shalt  }
0x76: {  	_ =	shalt  }
0x77: {  	_ =	shalt  }
0x78: {  	_ =	shalt  }
0x79: {  	_ =	shalt  }
0x7a: {  	_ =	shalt  }
0x7b: {  	_ =	shalt  }
0x7c: {  	_ =	shalt  }
0x7d: {  	_ =	shalt  }
0x7e: {  	_ =	shalt  }
0x7f: {  	_ =	shalt  }
0x80: {  	_ =	shalt  }
0x81: {  	_ =	shalt  }
0x82: {  	_ =	shalt  }
0x83: {  	_ =	shalt  }
0x84: {  	_ =	shalt  }
0x85: {  	_ =	shalt  }
0x86: {  	_ =	shalt  }
0x87: {  	_ =	shalt  }
.Lfunc_end0:
.L_simem_size_0:
called_computation_lowered:
.L_overlay_start_0:
0x88: {  	s2 =	sld [smem:$0x3FD9]  }
0x89: {  	s3 =	sld [smem:$0x3FFE];
	_ =	sdelay $0x1  }
0x8a: {  	s1 =	srdreg.scid  }
0x8b: {  	s0 =	sand.u32 $0x1, s1  }
0x8c: {  	s14 =	sshll.u32 s0, $0xA;
	s2 =	sadd.s32 s3, s2  }
0x8d: {  	s2 =	sadd.s32 s2, s14  }
0x8e: {  	[smem:$0x3FBD] =	sst s2  }
0x8f: {  	_ = 	snop  }
0x90: {  	s2 =	sld [smem:$0x3FD0];
	_ =	sdelay $0x2  }
0x91: {  	s15 =	simm.s32 $0xA;
	s4 =	simm.s32 $0x10  }
0x92: {  	[smem:s4], [sflag:s15] =	dma.local [hbm:s2], $0x1  }
0x93: {  	_ =	swait.eq [sflag:s15], $0x1  }
0x94: {  	[sflag:s15] =	ssyncset.done $0x0  }
0x95: {  	[sflag:s15] =	ssyncadd.s32 $0xFFFFFFFF  }
0x96: {  	s16 =	sld [smem:$0x12];
	(tm) =	ssettm $0x1  }
0x97: {  	s17 =	sld [smem:$0x3FFB];
	_ =	sdelay $0x3  }
0x98: {  	_ =	strace s17  }
0x99: {  	s3 =	sld [smem:$0x3FFC];
	_ =	sdelay $0x3  }
0x9a: {  	_ =	strace s3  }
0x9b: {  	s3 =	sld [smem:$0x3FFD];
	_ =	sdelay $0x3  }
0x9c: {  	_ =	strace s3  }
0x9d: {  	_ =	strace $0x8FFFFFFF  }
0x9e: {  	s18 =	sld [smem:$0x3FDB];
	_ =	sdelay $0x1  }
0x9f: {  	s19 =	simm.s32 $_scs_section_size  }
0xa0: {  	s5 =	simm.s32 $_size__tile_overlayer_lowered;
	s6 =	simm.s32 $_tile_overlayer_lowered  }
0xa1: {  	s22 =	simm.s32 $0x1BFF;
	s21 =	sshll.u32 s6, $0x1;
	s3 =	sadd.s32 s19, s18  }
0xa2: {  	s7 =	simm.s32 $0x0;
	s20 =	sshll.u32 s5, $0x1;
	s5 =	sadd.s32 s21, s3  }
0xa3: {  	[timem:s7], [sflag:s22] =	dma.local [hbm:s5], s20  }
0xa4: {  	_ =	swait.ge [sflag:s22], s20  }
0xa5: {  	s4 =	ssub.s32 $0x0, s20;
	[sflag:s22] =	ssyncset.done $0x0  }
0xa6: {  	[sflag:s22] =	ssyncadd.s32 s4;
	_ =	sdelay $0x1  }
0xa7: {  	s23 =	simm.s32 $0x1B8B  }
0xa8: {  	_ =	swait.ge [sflag:s23], $0x1  }
0xa9: {  	[sflag:s23] =	ssyncset.done $0x0  }
0xaa: {  	s25 =	simm.s32 $0x1B8E;
	s24 =	sld [smem:$0x3FFE];
	[sflag:s23] =	ssyncadd.s32 $0xFFFFFFFF  }
0xab: {  	s26 =	simm.s32 $execute0_lowered;
	[smem:$0x3FD2] =	sst s25  }
0xac: {  	s5 =	sshll.u32 s26, $0x1;
	_ =	strace $0x80000046;
	[dreg:$0x1] =	wrdreg $0xFFFFFFFF  }
0xad: {  	s28 =	simm.s32 $_size_execute0_lowered;
	s3 =	sadd.s32 s3, s5;
	[dreg:$0x0] =	wrdreg $0x0  }
0xae: {  	s5 =	sshll.u32 s28, $0x1;
	[dreg:$0x2] =	wrdreg s3  }
0xaf: {  	[dreg:$0x3] =	wrdreg s5  }
0xb0: {  	[dreg:$0x4] =	wrdreg $0xC0  }
0xb1: {  	_ =	task [dreg:s7], $0x5FFFF  }
0xb2: {  	[dreg:$0x1] =	wrdreg $0xFFFFFFFF  }
0xb3: {  	[dreg:$0x0] =	wrdreg $0x60  }
0xb4: {  	[dreg:$0x2] =	wrdreg s24  }
0xb5: {  	[dreg:$0x3] =	wrdreg s16  }
0xb6: {  	[dreg:$0x4] =	wrdreg $0x9  }
0xb7: {  	_ =	task.clear_ibuf [dreg:s7], $0x5FFFF;
	_ =	strace $0x90000046  }
0xb8: {  	s29 =	simm.s32 $0x9;
	_ =	strace $0x80000048  }
0xb9: {  	_ =	swait.ge [sflag:s29], $0x1  }
0xba: {  	[sflag:s29] =	ssyncadd.s32 $0xFFFFFFFF  }
0xbb: {  	_ =	strace $0x90000048  }
0xbc: {  	_ =	sfence  }
0xbd: {  	s30 =	sld [smem:$0x0];
	_ =	sdelay $0x2  }
0xbe: {  	s31 =	sshll.u32 s1, $0xD;
	s1 =	sshrl.u32 s1, $0x2  }
0xbf: {  	s3 =	sand.u32 $0x4000, s31;
	s1 =	sadd.s32 s1, s30  }
0xc0: {  	s0 =	sor.u32 s3, s0;
	s1 =	sshll.u32 s1, $0x11  }
0xc1: {  	s0 =	sor.u32 s1, s0  }
0xc2: {  	s0 =	sadd.s32 $0x8F2B, s0  }
0xc3: {  	[sflag:s0] =	ssyncadd.remote.s32 $0x1  }
0xc4: {  	_ =	sfence.sel $0xFFFF  }
0xc5: {  	[dreg:$0x0] =	wrdreg $0xFFFFFFFF;
	(pc) =	sbr.abs _section_cstart, $3  }
0xc6: {  	[dreg:$0x1] =	wrdreg $0xFFFFFFFF  }
0xc7: {  	_ =	task.clear_ibuf [dreg:s7], $0x2FFFF;
	_ =	strace $0x9FFFFFFF  }
0xc8: {  	(tm) =	ssettm $0x7FFFFFFF  }
0xc9: {  	_ =	shalt  }
tec
execute0_lowered:
.L_overlay_start_1:
0x0: {  	(tag) =	ssettag $0x1  }
0x1: {  	s0 =	rddreg [dreg:$0x0]  }
0x2: {  	s1 =	rddreg [dreg:$0x1]  }
0x3: {  	s2 =	srdreg.scid;
	s5 =	stileid.u32;
	s7 =	simm.s32 $0x880  }
0x4: {  	s11 =	simm.s32 $0x1080;
	s8 =	sand.u32 $0x1, s2;
	s2 =	simm.s32 $0x0  }
0x5: {  	s13 =	simm.s32 $0x1880;
	s14 =	simm.s32 $0x2080;
	[smem:$0x7FF] =	sst s2  }
0x6: {  	s15 =	simm.s32 $0x2880;
	_ =	strace $0x80000047;
	[dreg:$0x4] =	wrdreg s7  }
0x7: {  	s16 =	simm.s32 $0x3080;
	s17 =	simm.s32 $0x3880;
	[dreg:$0x5] =	wrdreg s11  }
0x8: {  	s19 =	simm.s32 $0x4080;
	s21 =	simm.s32 $0x4880;
	[dreg:$0x6] =	wrdreg s13  }
0x9: {  	s22 =	simm.s32 $0x5080;
	s24 =	simm.s32 $0x5880;
	[dreg:$0x7] =	wrdreg s14  }
0xa: {  	s25 =	simm.s32 $0x6080;
	s26 =	simm.s32 $0x6880;
	[dreg:$0x8] =	wrdreg s15  }
0xb: {  	s28 =	simm.s32 $0xF080;
	s29 =	simm.s32 $0xF880;
	[dreg:$0x9] =	wrdreg s16  }
0xc: {  	s30 =	simm.s32 $0x1;
	s31 =	simm.s32 $0x0;
	[dreg:$0xa] =	wrdreg s17  }
0xd: {  	s3 =	sshll.u32 s5, $0x9;
	s5 =	sshll.u32 s5, $0x10;
	[dreg:$0xb] =	wrdreg s19  }
0xe: {  	s6 =	sadd.s32 $0x1F00, s0;
	s4 =	sshll.u32 s8, $0x8;
	[dreg:$0xc] =	wrdreg s21  }
0xf: {  	s9 =	sadd.s32 s5, s0;
	s10 =	ssub.s32 $0x2, s8;
	[dreg:$0xd] =	wrdreg s22  }
0x10: {  	s5 =	sadd.s32 $0x1E00, s0;
	s20 =	sshll.u32 s8, $0xF;
	[dreg:$0xe] =	wrdreg s24  }
0x11: {  	s3 =	sor.u32 s4, s3;
	s12 =	sshrl.u32 s10, $0x1;
	[dreg:$0xf] =	wrdreg s25  }
0x12: {  	[dreg:$0x10] =	wrdreg s26;
	s11 =	simm.s32 $0x7080;
	s13 =	simm.s32 $0x8080  }
0x13: {  	s14 =	simm.s32 $0x8880;
	s15 =	simm.s32 $0x9080;
	s16 =	simm.s32 $0x9880  }
0x14: {  	s17 =	simm.s32 $0xA080;
	s19 =	simm.s32 $0xB080;
	s21 =	simm.s32 $0xC080  }
0x15: {  	s22 =	simm.s32 $0xC880;
	s24 =	simm.s32 $0xD880;
	s25 =	simm.s32 $0xE080  }
0x16: {  	s26 =	simm.s32 $0xE880;
	s4 =	sshrl.u32 s3, $0x3;
	s3 =	sadd.s32 $0x1C00, s0  }
0x17: {  	s7 =	ssub.s32 s10, s12;
	s10 =	simm.s32 $0x80;
	s1 =	sadd.s32 s4, s1  }
0x18: {  	s12 =	simm.s32 $0x7880;
	s18 =	smax.u32 s7, $0x1;
	[dreg:$0x3] =	wrdreg s1  }
0x19: {  	v2 =	vlaneseq.u32;
	s4 =	sadd.s32 $0x1D00, s0;
	[dreg:$0x11] =	wrdreg s18;
	s1 =	sadd.s32 s20, s9  }
0x1a: {  	vm0 =	vmmov $0xffff;
	v1 =	vshrl.u32 v2, $0x3;
	s9 =	simm.s32 $0x2;
	s18 =	simm.s32 $0xA880;
	s23 =	sadd.s32 $0x141C00, s1  }
0x1b: {  	v0 =	vand.u32 $0x7, v2;
	v2 =	vor.u32 $0x8, v2;
	v1 =	vmul.u32 $0x8, v1;
	s20 =	simm.s32 $0xB880;
	[dreg:$0x12] =	wrdreg s23;
	s23 =	simm.s32 $0xD080  }
.LBB2_1:
0x1c: {  	s8 =	rddreg [dreg:$0x12];
	s1 =	simm.s32 $0x0  }
.LBB2_2:
0x1d: {  	s7 =	rddreg [dreg:$0x3]  }
0x1e: {  	s7 =	sadd.s32 s1, s7  }
0x1f: {  	[tilespmem:s2], [sflag:$0x2] =	stream.linear.gather [hbm4b:s7+s2], $0x40, $0x38;
	[tilespmem:$0x10080] =	vst v63  }
0x20: {  	_ =	swait.ge [sflag:s9], $0x40  }
0x21: {  	[sflag:s9] =	ssyncset.done $0x0  }
0x22: {  	[sflag:s9] =	ssyncadd.s32 $0xFFFFFFC0  }
0x23: {  	v3 =	vld [tilespmem:$0x0];
	_ =	sdelay $0x4  }
0x24: {  	v4 =	vshll.u32 v3, $0x3  }
0x25: {  	v3 =	vand.u32 $0x7, v3;
	v4 =	vand.u32 $0xFFFFFFC0, v4  }
0x26: {  	v3 =	vor.u32 v3, v4  }
0x27: {  	v4 =	vperm.xlane v3, v0;
	_ =	sdelay $0x1  }
0x28: {  	v4 =	vadd.s32 v1, v4;
	_ =	sdelay $0x4  }
0x29: {  	[tilespmem:s10], [sflag:$0x1] =	stream.indirect_vreg.gather [hbm4b:s3+s2], $0x80, v4, vm0, $0xb8;
	[tilespmem:$0x10080] =	vst v63  }
0x2a: {  	s7 =	rddreg [dreg:$0x4];
	v3 =	vperm.xlane v3, v2  }
0x2b: {  	[tilespmem:s7], [sflag:$0x1] =	stream.indirect_vreg.gather [hbm4b:s4+s2], $0x80, v4, vm0, $0xb8;
	[tilespmem:$0x10080] =	vst v63  }
0x2c: {  	s0 =	rddreg [dreg:$0x5];
	v3 =	vadd.s32 v1, v3  }
0x2d: {  	[tilespmem:s0], [sflag:$0x1] =	stream.indirect_vreg.gather [hbm4b:s5+s2], $0x80, v4, vm0, $0xb8;
	[tilespmem:$0x10080] =	vst v63  }
0x2e: {  	s7 =	rddreg [dreg:$0x6]  }
0x2f: {  	[tilespmem:s7], [sflag:$0x1] =	stream.indirect_vreg.gather [hbm4b:s6+s2], $0x80, v4, vm0, $0xb8;
	[tilespmem:$0x10080] =	vst v63  }
0x30: {  	s0 =	rddreg [dreg:$0x7]  }
0x31: {  	[tilespmem:s0], [sflag:$0x1] =	stream.indirect_vreg.gather [hbm4b:s3+s2], $0x80, v3, vm0, $0xb8;
	[tilespmem:$0x10080] =	vst v63  }
0x32: {  	s7 =	rddreg [dreg:$0x8]  }
0x33: {  	[tilespmem:s7], [sflag:$0x1] =	stream.indirect_vreg.gather [hbm4b:s4+s2], $0x80, v3, vm0, $0xb8;
	[tilespmem:$0x10080] =	vst v63  }
0x34: {  	s0 =	rddreg [dreg:$0x9]  }
0x35: {  	[tilespmem:s0], [sflag:$0x1] =	stream.indirect_vreg.gather [hbm4b:s5+s2], $0x80, v3, vm0, $0xb8;
	[tilespmem:$0x10080] =	vst v63  }
0x36: {  	s7 =	rddreg [dreg:$0xa]  }
0x37: {  	[tilespmem:s7], [sflag:$0x1] =	stream.indirect_vreg.gather [hbm4b:s6+s2], $0x80, v3, vm0, $0xb8;
	[tilespmem:$0x10080] =	vst v63  }
0x38: {  	v3 =	vld [tilespmem:$0x10];
	_ =	sdelay $0x4  }
0x39: {  	v61 =	vshll.u32 v3, $0x3  }
0x3a: {  	v3 =	vand.u32 $0x7, v3;
	v4 =	vand.u32 $0xFFFFFFC0, v61  }
0x3b: {  	v3 =	vor.u32 v3, v4  }
0x3c: {  	v4 =	vperm.xlane v3, v0;
	_ =	sdelay $0x1  }
0x3d: {  	v4 =	vadd.s32 v1, v4;
	_ =	sdelay $0x3  }
0x3e: {  	s0 =	rddreg [dreg:$0xb]  }
0x3f: {  	[tilespmem:s0], [sflag:$0x1] =	stream.indirect_vreg.gather [hbm4b:s3+s2], $0x80, v4, vm0, $0xb8;
	[tilespmem:$0x10080] =	vst v63  }
0x40: {  	s7 =	rddreg [dreg:$0xc];
	v3 =	vperm.xlane v3, v2  }
0x41: {  	[tilespmem:s7], [sflag:$0x1] =	stream.indirect_vreg.gather [hbm4b:s4+s2], $0x80, v4, vm0, $0xb8;
	[tilespmem:$0x10080] =	vst v63  }
0x42: {  	v3 =	vadd.s32 v1, v3;
	s0 =	rddreg [dreg:$0xd]  }
0x43: {  	[tilespmem:s0], [sflag:$0x1] =	stream.indirect_vreg.gather [hbm4b:s5+s2], $0x80, v4, vm0, $0xb8;
	[tilespmem:$0x10080] =	vst v63  }
0x44: {  	s7 =	rddreg [dreg:$0xe]  }
0x45: {  	[tilespmem:s7], [sflag:$0x1] =	stream.indirect_vreg.gather [hbm4b:s6+s2], $0x80, v4, vm0, $0xb8;
	[tilespmem:$0x10080] =	vst v63  }
0x46: {  	s0 =	rddreg [dreg:$0xf]  }
0x47: {  	[tilespmem:s0], [sflag:$0x1] =	stream.indirect_vreg.gather [hbm4b:s3+s2], $0x80, v3, vm0, $0xb8;
	[tilespmem:$0x10080] =	vst v63  }
0x48: {  	s7 =	rddreg [dreg:$0x10]  }
0x49: {  	[tilespmem:s7], [sflag:$0x1] =	stream.indirect_vreg.gather [hbm4b:s4+s2], $0x80, v3, vm0, $0xb8;
	[tilespmem:$0x10080] =	vst v63  }
0x4a: {  	_ = 	snop  }
0x4b: {  	[tilespmem:s11], [sflag:$0x1] =	stream.indirect_vreg.gather [hbm4b:s5+s2], $0x80, v3, vm0, $0xb8;
	[tilespmem:$0x10080] =	vst v63  }
0x4c: {  	_ = 	snop  }
0x4d: {  	[tilespmem:s12], [sflag:$0x1] =	stream.indirect_vreg.gather [hbm4b:s6+s2], $0x80, v3, vm0, $0xb8;
	[tilespmem:$0x10080] =	vst v63  }
0x4e: {  	v3 =	vld [tilespmem:$0x20];
	_ =	sdelay $0x4  }
0x4f: {  	v62 =	vshll.u32 v3, $0x3  }
0x50: {  	v3 =	vand.u32 $0x7, v3;
	v4 =	vand.u32 $0xFFFFFFC0, v62  }
0x51: {  	v3 =	vor.u32 v3, v4  }
0x52: {  	v4 =	vperm.xlane v3, v0;
	_ =	sdelay $0x1  }
0x53: {  	v4 =	vadd.s32 v1, v4;
	_ =	sdelay $0x4  }
0x54: {  	[tilespmem:s13], [sflag:$0x1] =	stream.indirect_vreg.gather [hbm4b:s3+s2], $0x80, v4, vm0, $0xb8;
	[tilespmem:$0x10080] =	vst v63  }
0x55: {  	v3 =	vperm.xlane v3, v2  }
0x56: {  	[tilespmem:s14], [sflag:$0x1] =	stream.indirect_vreg.gather [hbm4b:s4+s2], $0x80, v4, vm0, $0xb8;
	[tilespmem:$0x10080] =	vst v63  }
0x57: {  	v3 =	vadd.s32 v1, v3  }
0x58: {  	[tilespmem:s15], [sflag:$0x1] =	stream.indirect_vreg.gather [hbm4b:s5+s2], $0x80, v4, vm0, $0xb8;
	[tilespmem:$0x10080] =	vst v63  }
0x59: {  	_ = 	snop  }
0x5a: {  	[tilespmem:s16], [sflag:$0x1] =	stream.indirect_vreg.gather [hbm4b:s6+s2], $0x80, v4, vm0, $0xb8;
	[tilespmem:$0x10080] =	vst v63  }
0x5b: {  	_ = 	snop  }
0x5c: {  	[tilespmem:s17], [sflag:$0x1] =	stream.indirect_vreg.gather [hbm4b:s3+s2], $0x80, v3, vm0, $0xb8;
	[tilespmem:$0x10080] =	vst v63  }
0x5d: {  	_ = 	snop  }
0x5e: {  	[tilespmem:s18], [sflag:$0x1] =	stream.indirect_vreg.gather [hbm4b:s4+s2], $0x80, v3, vm0, $0xb8;
	[tilespmem:$0x10080] =	vst v63  }
0x5f: {  	_ = 	snop  }
0x60: {  	[tilespmem:s19], [sflag:$0x1] =	stream.indirect_vreg.gather [hbm4b:s5+s2], $0x80, v3, vm0, $0xb8;
	[tilespmem:$0x10080] =	vst v63  }
0x61: {  	_ = 	snop  }
0x62: {  	[tilespmem:s20], [sflag:$0x1] =	stream.indirect_vreg.gather [hbm4b:s6+s2], $0x80, v3, vm0, $0xb8;
	[tilespmem:$0x10080] =	vst v63  }
0x63: {  	v3 =	vld [tilespmem:$0x30];
	_ =	sdelay $0x4  }
0x64: {  	v63 =	vshll.u32 v3, $0x3  }
0x65: {  	v3 =	vand.u32 $0x7, v3;
	v4 =	vand.u32 $0xFFFFFFC0, v63  }
0x66: {  	v3 =	vor.u32 v3, v4  }
0x67: {  	v4 =	vperm.xlane v3, v0;
	_ =	sdelay $0x1  }
0x68: {  	v4 =	vadd.s32 v1, v4;
	_ =	sdelay $0x4  }
0x69: {  	[tilespmem:s21], [sflag:$0x1] =	stream.indirect_vreg.gather [hbm4b:s3+s2], $0x80, v4, vm0, $0xb8;
	[tilespmem:$0x10080] =	vst v63  }
0x6a: {  	v3 =	vperm.xlane v3, v2  }
0x6b: {  	[tilespmem:s22], [sflag:$0x1] =	stream.indirect_vreg.gather [hbm4b:s4+s2], $0x80, v4, vm0, $0xb8;
	[tilespmem:$0x10080] =	vst v63  }
0x6c: {  	v3 =	vadd.s32 v1, v3  }
0x6d: {  	[tilespmem:s23], [sflag:$0x1] =	stream.indirect_vreg.gather [hbm4b:s5+s2], $0x80, v4, vm0, $0xb8;
	[tilespmem:$0x10080] =	vst v63  }
0x6e: {  	_ = 	snop  }
0x6f: {  	[tilespmem:s24], [sflag:$0x1] =	stream.indirect_vreg.gather [hbm4b:s6+s2], $0x80, v4, vm0, $0xb8;
	[tilespmem:$0x10080] =	vst v63  }
0x70: {  	_ = 	snop  }
0x71: {  	[tilespmem:s25], [sflag:$0x1] =	stream.indirect_vreg.gather [hbm4b:s3+s2], $0x80, v3, vm0, $0xb8;
	[tilespmem:$0x10080] =	vst v63  }
0x72: {  	_ = 	snop  }
0x73: {  	[tilespmem:s26], [sflag:$0x1] =	stream.indirect_vreg.gather [hbm4b:s4+s2], $0x80, v3, vm0, $0xb8;
	[tilespmem:$0x10080] =	vst v63  }
0x74: {  	_ = 	snop  }
0x75: {  	[tilespmem:s28], [sflag:$0x1] =	stream.indirect_vreg.gather [hbm4b:s5+s2], $0x80, v3, vm0, $0xb8;
	[tilespmem:$0x10080] =	vst v63  }
0x76: {  	_ = 	snop  }
0x77: {  	[tilespmem:s29], [sflag:$0x1] =	stream.indirect_vreg.gather [hbm4b:s6+s2], $0x80, v3, vm0, $0xb8;
	[tilespmem:$0x10080] =	vst v63  }
0x78: {  	_ =	swait.ge [sflag:s30], $0x10000  }
0x79: {  	p0 =	sne.s32 s1, $0x18;
	[sflag:s30] =	ssyncset.done $0x0  }
.Ltmp0:
0x7a: {  	[sflag:s30] =	ssyncadd.s32 $0xFFFF0000;
	(pc) =	sbr.rel @p0 .LBB2_2-.Ltmp0, $4  }
0x7b: {  	[hbm4b:s8+s2] =	stream.linear.scatter [tilespmem:s10], [sflag:$0x2], $0x10000, $0x38;
	[tilespmem:$0x10080] =	vst v63  }
0x7c: {  	_ =	swait.ge [sflag:s9], $0x10000  }
0x7d: {  	[sflag:s9] =	ssyncset.done $0x0  }
0x7e: {  	s1 =	sadd.s32 $0x8, s1;
	s8 =	sadd.s32 $0x2000, s8;
	[sflag:s9] =	ssyncadd.s32 $0xFFFF0000  }
0x7f: {  	s31 =	sadd.s32 $0x1, s31;
	s0 =	rddreg [dreg:$0x11]  }
0x80: {  	p0 =	sne.s32 s31, s0  }
.Ltmp1:
0x81: {  	_ = 	snop;
	(pc) =	sbr.rel @p0 .LBB2_1-.Ltmp1, $1  }
0x82: {  	_ =	sdelay $0x3  }
0x83: {  	_ =	sfence.sel $0x180000  }
0x84: {  	[bflag:$0x0] =	sbarrier.arrive $0xFFFF  }
0x85: {  	_ =	strace $0x90000047  }
0x86: {  	s0 =	stileid.u32;
	[bflag:$0x2] =	sbarrier.arrive $0xFFFF  }
0x87: {  	p0 =	sne.s32 s0, $0x0;
	s0 =	rddreg [dreg:$0x2]  }
0x88: {  	s0 =	sadd.s32 @!p0 $0x100000, s0  }
0x89: {  	[sflag:s0] =	ssyncadd.tile.s32 @!p0 $0x1;
	_ =	shalt  }
.Lfunc_end2:
_tile_overlayer_lowered:
.L_overlay_start_2:
0x8a: {  	(tag) =	ssettag $0x2  }
0x8b: {  	s0 =	rddreg [dreg:$0x0];
	s2 =	stileid.u32  }
0x8c: {  	s1 =	rddreg [dreg:$0x1];
	p0 =	sne.s32 s2, $0x0  }
0x8d: {  	s3 =	rddreg [dreg:$0x2];
	[bflag:$0x3] =	sbarrier.arrive $0xFFFF;
	s2 =	simm.s32 @!p0 $0x1C02  }
0x8e: {  	[timem:s3], [sflag:s2] =	dma.local @!p0 [hbm:s0], s1  }
0x8f: {  	s0 =	simm.s32 @!p0 $0x2  }
0x90: {  	_ =	swait.ge @!p0 [sflag:s0], s1  }
0x91: {  	s1 =	ssub.s32 @!p0 $0x0, s1;
	[sflag:s0] =	ssyncset.done @!p0 $0x0  }
0x92: {  	[sflag:s0] =	ssyncadd.s32 @!p0 s1  }
0x93: {  	[bflag:$0x3] =	sbarrier.arrive $0xFFFF  }
0x94: {  	_ =	shalt  }

</sc_bundles>
